<compile_context>
chip_gen: v7x
topology: tpu7x:2x2x1
jax: 0.10.2.dev20260603
libtpu: 0.0.44.dev20260713+nightly
codegen_flags: <defaults>
</compile_context>

<pallas_src>
import functools

import jax
import jax.numpy as jnp
from jax import lax
from jax.experimental import pallas as pl
from jax.experimental.pallas import tpu as pltpu
from jax.experimental.pallas import tpu_sc as plsc

_VOCAB = 1001
_OOV = 100
_TBL = _VOCAB + _OOV
_B, _W = 4096, 50
_NC = 2
_NS = 16
_NW = _NC * _NS
_ROWS = _B // _NW
_CHUNK = _ROWS * _W
_L = 16


_HALF = _ROWS // 2


def _sc_body(tok_hbm, tbl_hbm, out_hbm, tok_v, out_v, tbl_v, sem_t, sem_k,
             sem_k2, sem_o):
    wid = lax.axis_index("s") * _NC + lax.axis_index("c")
    tok_slab = tok_hbm.reshape(_NW, _ROWS, _W).at[wid]
    ct = pltpu.async_copy(tbl_hbm, tbl_v, sem_t)
    ck = pltpu.async_copy(tok_slab.at[pl.ds(0, _HALF)],
                          tok_v.at[pl.ds(0, _HALF)], sem_k)
    ck2 = pltpu.async_copy(tok_slab.at[pl.ds(_HALF, _ROWS - _HALF)],
                           tok_v.at[pl.ds(_HALF, _ROWS - _HALF)], sem_k2)
    ck.wait()
    ct.wait()

    def remap(tok):
        q = (tok.astype(jnp.float32) * 0.01).astype(jnp.int32)
        return jnp.where(tok < _VOCAB, tok, _VOCAB + tok - q * _OOV)

    def make_loop(lo, hi):
        @plsc.parallel_loop(lo, hi, unroll=2)
        def _loop(r):
            for c in (0, 16, 32, 34):
                tok = tok_v[r, pl.ds(c, _L)]
                out_v[r, pl.ds(c, _L)] = plsc.load_gather(tbl_v, [remap(tok)])

    out_slab = out_hbm.reshape(_NW, _ROWS, _W).at[wid]
    make_loop(0, _HALF)
    co = pltpu.async_copy(out_v.at[pl.ds(0, _HALF)], out_slab.at[pl.ds(0, _HALF)],
                          sem_o)
    ck2.wait()
    make_loop(_HALF, _ROWS)
    co.wait()
    pltpu.sync_copy(out_v.at[pl.ds(_HALF, _ROWS - _HALF)],
                    out_slab.at[pl.ds(_HALF, _ROWS - _HALF)])


@jax.jit
def kernel(tokens, table):
    mesh = plsc.VectorSubcoreMesh(core_axis_name="c", subcore_axis_name="s")
    out = pl.kernel(
        _sc_body,
        out_type=jax.ShapeDtypeStruct((_B, _W), jnp.float32),
        mesh=mesh,
        compiler_params=pltpu.CompilerParams(needs_layout_passes=False),
        scratch_types=[
            pltpu.VMEM((_ROWS, _W), jnp.int32),
            pltpu.VMEM((_ROWS, _W), jnp.float32),
            pltpu.VMEM((_TBL,), jnp.float32),
            pltpu.SemaphoreType.DMA,
            pltpu.SemaphoreType.DMA,
            pltpu.SemaphoreType.DMA,
            pltpu.SemaphoreType.DMA,
        ],
    )(tokens, table)
    return out

# --- scband reference (transcript-rebuilt; emitter-appended) ---
"""Pipeline reference for scband-text-vectorization-76373108457774 (READ-ONLY COPY).

The authoritative reference and input builder live on the scoring server;
editing this copy changes nothing except your own understanding.
"""

import jax, jax.numpy as jnp
import numpy as np

VOCAB = 1001  # b'<pad>' + 1000 most-common words, per max_vocabulary_size=1000
OOV = 100    # n_oov_buckets
HASH_SPACE = 100000  # space of raw token hashes fed to the lookup table


def setup_inputs(seed: int = 0) -> dict:
    key = jax.random.key(seed)
    k1, k2 = jax.random.split(key)
    # Pre-tokenized batch: 4096 reviews x 50 words, each word represented by its
    # (string) hash value in [0, HASH_SPACE). Values < VOCAB correspond to known
    # vocabulary words; values >= VOCAB are out-of-vocabulary and get hashed into
    # one of the OOV buckets, exactly like tf.lookup.StaticVocabularyTable.
    tokens = jax.random.randint(k1, (4096, 50), 0, HASH_SPACE, dtype=jnp.int32)
    # The lookup table's stored values (word ids 0..VOCAB+OOV-1), materialized as
    # a dense float array so the lookup is an explicit gather.
    table = jnp.arange(VOCAB + OOV, dtype=jnp.float32)
    return {"tokens": tokens, "table": table}


def reference(tokens, table):
    # StaticVocabularyTable semantics: known keys -> their id; unknown keys ->
    # VOCAB + hash(key) % n_oov_buckets. Then gather the stored values.
    in_vocab = tokens < VOCAB
    idx = jnp.where(in_vocab, tokens, VOCAB + jnp.mod(tokens, OOV))
    out = jnp.take(table, idx, axis=0)  # [4096, 50]
    return out

if __name__ == "__main__":
    import jax
    _d = setup_inputs()
    print(jax.jit(kernel)(*tuple(_d.values())))

</pallas_src>

<mosaic_0001>
#map = affine_map<(d0, d1) -> (0, 0)>
#map1 = affine_map<(d0, d1) -> (0)>
module attributes {stable_mosaic.version = 14 : i64} {
  func.func @_sc_body(%arg0: i32, %arg1: i32, %arg2: memref<4096x50xi32, #tpu.memory_space<hbm>>, %arg3: memref<1101xf32, #tpu.memory_space<hbm>>, %arg4: memref<4096x50xf32, #tpu.memory_space<hbm>>, %arg5: memref<128x50xi32, #tpu.memory_space<vmem>>, %arg6: memref<128x50xf32, #tpu.memory_space<vmem>>, %arg7: memref<1101xf32, #tpu.memory_space<vmem>>, %arg8: memref<!tpu.dma_semaphore, #tpu.memory_space<semaphore_mem>>, %arg9: memref<!tpu.dma_semaphore, #tpu.memory_space<semaphore_mem>>, %arg10: memref<!tpu.dma_semaphore, #tpu.memory_space<semaphore_mem>>, %arg11: memref<!tpu.dma_semaphore, #tpu.memory_space<semaphore_mem>>) attributes {dimension_semantics = [#tpu.dimension_semantics<core_parallel>, #tpu.dimension_semantics<subcore_parallel>], iteration_bounds = array<i64: 2, 16>, scalar_prefetch = 0 : i64, scratch_operands = 7 : i64, tpu.core_type = #tpu.core_type<sc_vector_subcore>, window_params = [{transform_indices = #map}, {transform_indices = #map1}, {transform_indices = #map}]} {
    %mul3A = arith.constant 2 : i32
    %mul3A_0 = arith.muli %arg1, %mul3A : i32
    %add3A = arith.addi %mul3A_0, %arg0 : i32
    tpu.enqueue_dma source(%arg3 : memref<1101xf32, #tpu.memory_space<hbm>>) target(%arg7 : memref<1101xf32, #tpu.memory_space<vmem>>) target_semaphore(%arg8 : memref<!tpu.dma_semaphore, #tpu.memory_space<semaphore_mem>>)
    %dma_start3A = arith.constant 0 : i32
    %dma_start3A_1 = arith.constant 0 : i32
    %dma_start3A_2 = tpu.memref_slice %arg5[%dma_start3A, %dma_start3A_1] : memref<128x50xi32, #tpu.memory_space<vmem>> -> memref<64x50xi32, #tpu.memory_space<vmem>>
    %dma_start3A_3 = tpu.memref_reshape %arg2 : memref<4096x50xi32, #tpu.memory_space<hbm>> -> memref<32x128x50xi32, #tpu.memory_space<hbm>>
    %dma_start3A_4 = arith.constant 0 : i32
    %dma_start3A_5 = arith.constant 0 : i32
    %dma_start3A_6 = tpu.memref_slice %dma_start3A_3[%add3A, %dma_start3A_4, %dma_start3A_5] : memref<32x128x50xi32, #tpu.memory_space<hbm>> -> memref<1x128x50xi32, #tpu.memory_space<hbm>>
    %dma_start3A_7 = tpu.memref_squeeze %dma_start3A_6 : memref<1x128x50xi32, #tpu.memory_space<hbm>> -> memref<128x50xi32, #tpu.memory_space<hbm>>
    %dma_start3A_8 = arith.constant 0 : i32
    %dma_start3A_9 = arith.constant 0 : i32
    %dma_start3A_10 = tpu.memref_slice %dma_start3A_7[%dma_start3A_8, %dma_start3A_9] : memref<128x50xi32, #tpu.memory_space<hbm>> -> memref<64x50xi32, #tpu.memory_space<hbm>>
    %dma_start3A_11 = arith.constant 0 : i32
    %dma_start3A_12 = arith.constant 0 : i32
    %dma_start3A_13 = tpu.memref_slice %arg5[%dma_start3A_11, %dma_start3A_12] : memref<128x50xi32, #tpu.memory_space<vmem>> -> memref<64x50xi32, #tpu.memory_space<vmem>>
    %dma_start3A_14 = tpu.memref_reshape %arg2 : memref<4096x50xi32, #tpu.memory_space<hbm>> -> memref<32x128x50xi32, #tpu.memory_space<hbm>>
    %dma_start3A_15 = arith.constant 0 : i32
    %dma_start3A_16 = arith.constant 0 : i32
    %dma_start3A_17 = tpu.memref_slice %dma_start3A_14[%add3A, %dma_start3A_15, %dma_start3A_16] : memref<32x128x50xi32, #tpu.memory_space<hbm>> -> memref<1x128x50xi32, #tpu.memory_space<hbm>>
    %dma_start3A_18 = tpu.memref_squeeze %dma_start3A_17 : memref<1x128x50xi32, #tpu.memory_space<hbm>> -> memref<128x50xi32, #tpu.memory_space<hbm>>
    %dma_start3A_19 = arith.constant 0 : i32
    %dma_start3A_20 = arith.constant 0 : i32
    %dma_start3A_21 = tpu.memref_slice %dma_start3A_18[%dma_start3A_19, %dma_start3A_20] : memref<128x50xi32, #tpu.memory_space<hbm>> -> memref<64x50xi32, #tpu.memory_space<hbm>>
    tpu.enqueue_dma source(%dma_start3A_21 : memref<64x50xi32, #tpu.memory_space<hbm>>) target(%dma_start3A_13 : memref<64x50xi32, #tpu.memory_space<vmem>>) target_semaphore(%arg9 : memref<!tpu.dma_semaphore, #tpu.memory_space<semaphore_mem>>)
    %dma_start3A_22 = arith.constant 64 : i32
    %dma_start3A_23 = arith.constant 0 : i32
    %dma_start3A_24 = tpu.memref_slice %arg5[%dma_start3A_22, %dma_start3A_23] : memref<128x50xi32, #tpu.memory_space<vmem>> -> memref<64x50xi32, #tpu.memory_space<vmem>>
    %dma_start3A_25 = tpu.memref_reshape %arg2 : memref<4096x50xi32, #tpu.memory_space<hbm>> -> memref<32x128x50xi32, #tpu.memory_space<hbm>>
    %dma_start3A_26 = arith.constant 0 : i32
    %dma_start3A_27 = arith.constant 0 : i32
    %dma_start3A_28 = tpu.memref_slice %dma_start3A_25[%add3A, %dma_start3A_26, %dma_start3A_27] : memref<32x128x50xi32, #tpu.memory_space<hbm>> -> memref<1x128x50xi32, #tpu.memory_space<hbm>>
    %dma_start3A_29 = tpu.memref_squeeze %dma_start3A_28 : memref<1x128x50xi32, #tpu.memory_space<hbm>> -> memref<128x50xi32, #tpu.memory_space<hbm>>
    %dma_start3A_30 = arith.constant 64 : i32
    %dma_start3A_31 = arith.constant 0 : i32
    %dma_start3A_32 = tpu.memref_slice %dma_start3A_29[%dma_start3A_30, %dma_start3A_31] : memref<128x50xi32, #tpu.memory_space<hbm>> -> memref<64x50xi32, #tpu.memory_space<hbm>>
    %dma_start3A_33 = arith.constant 64 : i32
    %dma_start3A_34 = arith.constant 0 : i32
    %dma_start3A_35 = tpu.memref_slice %arg5[%dma_start3A_33, %dma_start3A_34] : memref<128x50xi32, #tpu.memory_space<vmem>> -> memref<64x50xi32, #tpu.memory_space<vmem>>
    %dma_start3A_36 = tpu.memref_reshape %arg2 : memref<4096x50xi32, #tpu.memory_space<hbm>> -> memref<32x128x50xi32, #tpu.memory_space<hbm>>
    %dma_start3A_37 = arith.constant 0 : i32
    %dma_start3A_38 = arith.constant 0 : i32
    %dma_start3A_39 = tpu.memref_slice %dma_start3A_36[%add3A, %dma_start3A_37, %dma_start3A_38] : memref<32x128x50xi32, #tpu.memory_space<hbm>> -> memref<1x128x50xi32, #tpu.memory_space<hbm>>
    %dma_start3A_40 = tpu.memref_squeeze %dma_start3A_39 : memref<1x128x50xi32, #tpu.memory_space<hbm>> -> memref<128x50xi32, #tpu.memory_space<hbm>>
    %dma_start3A_41 = arith.constant 64 : i32
    %dma_start3A_42 = arith.constant 0 : i32
    %dma_start3A_43 = tpu.memref_slice %dma_start3A_40[%dma_start3A_41, %dma_start3A_42] : memref<128x50xi32, #tpu.memory_space<hbm>> -> memref<64x50xi32, #tpu.memory_space<hbm>>
    tpu.enqueue_dma source(%dma_start3A_43 : memref<64x50xi32, #tpu.memory_space<hbm>>) target(%dma_start3A_35 : memref<64x50xi32, #tpu.memory_space<vmem>>) target_semaphore(%arg10 : memref<!tpu.dma_semaphore, #tpu.memory_space<semaphore_mem>>)
    %dma_wait3A = arith.constant 0 : i32
    %dma_wait3A_44 = arith.constant 0 : i32
    %dma_wait3A_45 = tpu.memref_slice %arg5[%dma_wait3A, %dma_wait3A_44] : memref<128x50xi32, #tpu.memory_space<vmem>> -> memref<64x50xi32, #tpu.memory_space<vmem>>
    %dma_wait3A_46 = tpu.memref_reshape %arg2 : memref<4096x50xi32, #tpu.memory_space<hbm>> -> memref<32x128x50xi32, #tpu.memory_space<hbm>>
    %dma_wait3A_47 = arith.constant 0 : i32
    %dma_wait3A_48 = arith.constant 0 : i32
    %dma_wait3A_49 = tpu.memref_slice %dma_wait3A_46[%add3A, %dma_wait3A_47, %dma_wait3A_48] : memref<32x128x50xi32, #tpu.memory_space<hbm>> -> memref<1x128x50xi32, #tpu.memory_space<hbm>>
    %dma_wait3A_50 = tpu.memref_squeeze %dma_wait3A_49 : memref<1x128x50xi32, #tpu.memory_space<hbm>> -> memref<128x50xi32, #tpu.memory_space<hbm>>
    %dma_wait3A_51 = arith.constant 0 : i32
    %dma_wait3A_52 = arith.constant 0 : i32
    %dma_wait3A_53 = tpu.memref_slice %dma_wait3A_50[%dma_wait3A_51, %dma_wait3A_52] : memref<128x50xi32, #tpu.memory_space<hbm>> -> memref<64x50xi32, #tpu.memory_space<hbm>>
    %dma_wait3A_54 = arith.constant 0 : i32
    %dma_wait3A_55 = arith.constant 0 : i32
    %dma_wait3A_56 = tpu.memref_slice %arg5[%dma_wait3A_54, %dma_wait3A_55] : memref<128x50xi32, #tpu.memory_space<vmem>> -> memref<64x50xi32, #tpu.memory_space<vmem>>
    %dma_wait3A_57 = tpu.memref_reshape %arg2 : memref<4096x50xi32, #tpu.memory_space<hbm>> -> memref<32x128x50xi32, #tpu.memory_space<hbm>>
    %dma_wait3A_58 = arith.constant 0 : i32
    %dma_wait3A_59 = arith.constant 0 : i32
    %dma_wait3A_60 = tpu.memref_slice %dma_wait3A_57[%add3A, %dma_wait3A_58, %dma_wait3A_59] : memref<32x128x50xi32, #tpu.memory_space<hbm>> -> memref<1x128x50xi32, #tpu.memory_space<hbm>>
    %dma_wait3A_61 = tpu.memref_squeeze %dma_wait3A_60 : memref<1x128x50xi32, #tpu.memory_space<hbm>> -> memref<128x50xi32, #tpu.memory_space<hbm>>
    %dma_wait3A_62 = arith.constant 0 : i32
    %dma_wait3A_63 = arith.constant 0 : i32
    %dma_wait3A_64 = tpu.memref_slice %dma_wait3A_61[%dma_wait3A_62, %dma_wait3A_63] : memref<128x50xi32, #tpu.memory_space<hbm>> -> memref<64x50xi32, #tpu.memory_space<hbm>>
    tpu.wait_dma2 semaphore(%arg9 : memref<!tpu.dma_semaphore, #tpu.memory_space<semaphore_mem>>) src(%dma_wait3A_64 : memref<64x50xi32, #tpu.memory_space<hbm>>) dst(%dma_wait3A_56 : memref<64x50xi32, #tpu.memory_space<vmem>>)
    tpu.wait_dma2 semaphore(%arg8 : memref<!tpu.dma_semaphore, #tpu.memory_space<semaphore_mem>>) src(%arg3 : memref<1101xf32, #tpu.memory_space<hbm>>) dst(%arg7 : memref<1101xf32, #tpu.memory_space<vmem>>)
    %parallel_loop3A = arith.constant 0 : i32
    %parallel_loop3A_65 = arith.constant 64 : i32
    %parallel_loop3A_66 = arith.constant 1 : i32
    scf.for %parallel_loop3A_136 = %parallel_loop3A to %parallel_loop3A_65 step %parallel_loop3A_66  : i32 {
      %parallel_loop3A_137 = arith.index_cast %parallel_loop3A_136 : i32 to index
      %parallel_loop3A_138 = arith.constant 0 : index
      %parallel_loop3A_139 = tpu.vector_load %arg5[%parallel_loop3A_137, %parallel_loop3A_138] {strides = array<i32>} : memref<128x50xi32, #tpu.memory_space<vmem>>, vector<16xi32>,
      %parallel_loop3A_140 = arith.sitofp %parallel_loop3A_139 : vector<16xi32> to vector<16xf32>
      %parallel_loop3A_141 = arith.constant 0.00999999977 : f32
      %parallel_loop3A_142 = vector.broadcast %parallel_loop3A_141 : f32 to vector<16xf32>
      %parallel_loop3A_143 = arith.mulf %parallel_loop3A_140, %parallel_loop3A_142 : vector<16xf32>
      %parallel_loop3A_144 = arith.fptosi %parallel_loop3A_143 : vector<16xf32> to vector<16xi32>
      %parallel_loop3A_145 = arith.constant 1001 : i32
      %parallel_loop3A_146 = vector.broadcast %parallel_loop3A_145 : i32 to vector<16xi32>
      %parallel_loop3A_147 = arith.cmpi slt, %parallel_loop3A_139, %parallel_loop3A_146 : vector<16xi32>
      %parallel_loop3A_148 = arith.constant 1001 : i32
      %parallel_loop3A_149 = vector.broadcast %parallel_loop3A_148 : i32 to vector<16xi32>
      %parallel_loop3A_150 = arith.addi %parallel_loop3A_149, %parallel_loop3A_139 : vector<16xi32>
      %parallel_loop3A_151 = arith.constant 100 : i32
      %parallel_loop3A_152 = vector.broadcast %parallel_loop3A_151 : i32 to vector<16xi32>
      %parallel_loop3A_153 = arith.muli %parallel_loop3A_144, %parallel_loop3A_152 : vector<16xi32>
      %parallel_loop3A_154 = arith.subi %parallel_loop3A_150, %parallel_loop3A_153 : vector<16xi32>
      %parallel_loop3A_155 = arith.select %parallel_loop3A_147, %parallel_loop3A_139, %parallel_loop3A_154 : vector<16xi1>, vector<16xi32>
      %parallel_loop3A_156 = tpu.vector_load_idx %arg7[%parallel_loop3A_155] : memref<1101xf32, #tpu.memory_space<vmem>>[vector<16xi32>], vector<16xf32>,
      %parallel_loop3A_157 = arith.index_cast %parallel_loop3A_136 : i32 to index
      %parallel_loop3A_158 = arith.constant 0 : index
      %parallel_loop3A_159 = tpu.vector_load %arg6[%parallel_loop3A_157, %parallel_loop3A_158] {strides = array<i32>} : memref<128x50xf32, #tpu.memory_space<vmem>>, vector<16xf32>,
      tpu.vector_store %arg6[%parallel_loop3A_157, %parallel_loop3A_158], %parallel_loop3A_156 {strides = array<i32>} : memref<128x50xf32, #tpu.memory_space<vmem>>, vector<16xf32>,
      %parallel_loop3A_160 = arith.index_cast %parallel_loop3A_136 : i32 to index
      %parallel_loop3A_161 = arith.constant 16 : index
      %parallel_loop3A_162 = tpu.vector_load %arg5[%parallel_loop3A_160, %parallel_loop3A_161] {strides = array<i32>} : memref<128x50xi32, #tpu.memory_space<vmem>>, vector<16xi32>,
      %parallel_loop3A_163 = arith.sitofp %parallel_loop3A_162 : vector<16xi32> to vector<16xf32>
      %parallel_loop3A_164 = arith.constant 0.00999999977 : f32
      %parallel_loop3A_165 = vector.broadcast %parallel_loop3A_164 : f32 to vector<16xf32>
      %parallel_loop3A_166 = arith.mulf %parallel_loop3A_163, %parallel_loop3A_165 : vector<16xf32>
      %parallel_loop3A_167 = arith.fptosi %parallel_loop3A_166 : vector<16xf32> to vector<16xi32>
      %parallel_loop3A_168 = arith.constant 1001 : i32
      %parallel_loop3A_169 = vector.broadcast %parallel_loop3A_168 : i32 to vector<16xi32>
      %parallel_loop3A_170 = arith.cmpi slt, %parallel_loop3A_162, %parallel_loop3A_169 : vector<16xi32>
      %parallel_loop3A_171 = arith.constant 1001 : i32
      %parallel_loop3A_172 = vector.broadcast %parallel_loop3A_171 : i32 to vector<16xi32>
      %parallel_loop3A_173 = arith.addi %parallel_loop3A_172, %parallel_loop3A_162 : vector<16xi32>
      %parallel_loop3A_174 = arith.constant 100 : i32
      %parallel_loop3A_175 = vector.broadcast %parallel_loop3A_174 : i32 to vector<16xi32>
      %parallel_loop3A_176 = arith.muli %parallel_loop3A_167, %parallel_loop3A_175 : vector<16xi32>
      %parallel_loop3A_177 = arith.subi %parallel_loop3A_173, %parallel_loop3A_176 : vector<16xi32>
      %parallel_loop3A_178 = arith.select %parallel_loop3A_170, %parallel_loop3A_162, %parallel_loop3A_177 : vector<16xi1>, vector<16xi32>
      %parallel_loop3A_179 = tpu.vector_load_idx %arg7[%parallel_loop3A_178] : memref<1101xf32, #tpu.memory_space<vmem>>[vector<16xi32>], vector<16xf32>,
      %parallel_loop3A_180 = arith.index_cast %parallel_loop3A_136 : i32 to index
      %parallel_loop3A_181 = arith.constant 16 : index
      %parallel_loop3A_182 = tpu.vector_load %arg6[%parallel_loop3A_180, %parallel_loop3A_181] {strides = array<i32>} : memref<128x50xf32, #tpu.memory_space<vmem>>, vector<16xf32>,
      tpu.vector_store %arg6[%parallel_loop3A_180, %parallel_loop3A_181], %parallel_loop3A_179 {strides = array<i32>} : memref<128x50xf32, #tpu.memory_space<vmem>>, vector<16xf32>,
      %parallel_loop3A_183 = arith.index_cast %parallel_loop3A_136 : i32 to index
      %parallel_loop3A_184 = arith.constant 32 : index
      %parallel_loop3A_185 = tpu.vector_load %arg5[%parallel_loop3A_183, %parallel_loop3A_184] {strides = array<i32>} : memref<128x50xi32, #tpu.memory_space<vmem>>, vector<16xi32>,
      %parallel_loop3A_186 = arith.sitofp %parallel_loop3A_185 : vector<16xi32> to vector<16xf32>
      %parallel_loop3A_187 = arith.constant 0.00999999977 : f32
      %parallel_loop3A_188 = vector.broadcast %parallel_loop3A_187 : f32 to vector<16xf32>
      %parallel_loop3A_189 = arith.mulf %parallel_loop3A_186, %parallel_loop3A_188 : vector<16xf32>
      %parallel_loop3A_190 = arith.fptosi %parallel_loop3A_189 : vector<16xf32> to vector<16xi32>
      %parallel_loop3A_191 = arith.constant 1001 : i32
      %parallel_loop3A_192 = vector.broadcast %parallel_loop3A_191 : i32 to vector<16xi32>
      %parallel_loop3A_193 = arith.cmpi slt, %parallel_loop3A_185, %parallel_loop3A_192 : vector<16xi32>
      %parallel_loop3A_194 = arith.constant 1001 : i32
      %parallel_loop3A_195 = vector.broadcast %parallel_loop3A_194 : i32 to vector<16xi32>
      %parallel_loop3A_196 = arith.addi %parallel_loop3A_195, %parallel_loop3A_185 : vector<16xi32>
      %parallel_loop3A_197 = arith.constant 100 : i32
      %parallel_loop3A_198 = vector.broadcast %parallel_loop3A_197 : i32 to vector<16xi32>
      %parallel_loop3A_199 = arith.muli %parallel_loop3A_190, %parallel_loop3A_198 : vector<16xi32>
      %parallel_loop3A_200 = arith.subi %parallel_loop3A_196, %parallel_loop3A_199 : vector<16xi32>
      %parallel_loop3A_201 = arith.select %parallel_loop3A_193, %parallel_loop3A_185, %parallel_loop3A_200 : vector<16xi1>, vector<16xi32>
      %parallel_loop3A_202 = tpu.vector_load_idx %arg7[%parallel_loop3A_201] : memref<1101xf32, #tpu.memory_space<vmem>>[vector<16xi32>], vector<16xf32>,
      %parallel_loop3A_203 = arith.index_cast %parallel_loop3A_136 : i32 to index
      %parallel_loop3A_204 = arith.constant 32 : index
      %parallel_loop3A_205 = tpu.vector_load %arg6[%parallel_loop3A_203, %parallel_loop3A_204] {strides = array<i32>} : memref<128x50xf32, #tpu.memory_space<vmem>>, vector<16xf32>,
      tpu.vector_store %arg6[%parallel_loop3A_203, %parallel_loop3A_204], %parallel_loop3A_202 {strides = array<i32>} : memref<128x50xf32, #tpu.memory_space<vmem>>, vector<16xf32>,
      %parallel_loop3A_206 = arith.index_cast %parallel_loop3A_136 : i32 to index
      %parallel_loop3A_207 = arith.constant 34 : index
      %parallel_loop3A_208 = tpu.vector_load %arg5[%parallel_loop3A_206, %parallel_loop3A_207] {strides = array<i32>} : memref<128x50xi32, #tpu.memory_space<vmem>>, vector<16xi32>,
      %parallel_loop3A_209 = arith.sitofp %parallel_loop3A_208 : vector<16xi32> to vector<16xf32>
      %parallel_loop3A_210 = arith.constant 0.00999999977 : f32
      %parallel_loop3A_211 = vector.broadcast %parallel_loop3A_210 : f32 to vector<16xf32>
      %parallel_loop3A_212 = arith.mulf %parallel_loop3A_209, %parallel_loop3A_211 : vector<16xf32>
      %parallel_loop3A_213 = arith.fptosi %parallel_loop3A_212 : vector<16xf32> to vector<16xi32>
      %parallel_loop3A_214 = arith.constant 1001 : i32
      %parallel_loop3A_215 = vector.broadcast %parallel_loop3A_214 : i32 to vector<16xi32>
      %parallel_loop3A_216 = arith.cmpi slt, %parallel_loop3A_208, %parallel_loop3A_215 : vector<16xi32>
      %parallel_loop3A_217 = arith.constant 1001 : i32
      %parallel_loop3A_218 = vector.broadcast %parallel_loop3A_217 : i32 to vector<16xi32>
      %parallel_loop3A_219 = arith.addi %parallel_loop3A_218, %parallel_loop3A_208 : vector<16xi32>
      %parallel_loop3A_220 = arith.constant 100 : i32
      %parallel_loop3A_221 = vector.broadcast %parallel_loop3A_220 : i32 to vector<16xi32>
      %parallel_loop3A_222 = arith.muli %parallel_loop3A_213, %parallel_loop3A_221 : vector<16xi32>
      %parallel_loop3A_223 = arith.subi %parallel_loop3A_219, %parallel_loop3A_222 : vector<16xi32>
      %parallel_loop3A_224 = arith.select %parallel_loop3A_216, %parallel_loop3A_208, %parallel_loop3A_223 : vector<16xi1>, vector<16xi32>
      %parallel_loop3A_225 = tpu.vector_load_idx %arg7[%parallel_loop3A_224] : memref<1101xf32, #tpu.memory_space<vmem>>[vector<16xi32>], vector<16xf32>,
      %parallel_loop3A_226 = arith.index_cast %parallel_loop3A_136 : i32 to index
      %parallel_loop3A_227 = arith.constant 34 : index
      %parallel_loop3A_228 = tpu.vector_load %arg6[%parallel_loop3A_226, %parallel_loop3A_227] {strides = array<i32>} : memref<128x50xf32, #tpu.memory_space<vmem>>, vector<16xf32>,
      tpu.vector_store %arg6[%parallel_loop3A_226, %parallel_loop3A_227], %parallel_loop3A_225 {strides = array<i32>} : memref<128x50xf32, #tpu.memory_space<vmem>>, vector<16xf32>,
    } {sc.loop_unroll_factor = 2 : i64, sc.parallel_access}
    %dma_start3A_67 = arith.constant 0 : i32
    %dma_start3A_68 = arith.constant 0 : i32
    %dma_start3A_69 = tpu.memref_slice %arg6[%dma_start3A_67, %dma_start3A_68] : memref<128x50xf32, #tpu.memory_space<vmem>> -> memref<64x50xf32, #tpu.memory_space<vmem>>
    %dma_start3A_70 = tpu.memref_reshape %arg4 : memref<4096x50xf32, #tpu.memory_space<hbm>> -> memref<32x128x50xf32, #tpu.memory_space<hbm>>
    %dma_start3A_71 = arith.constant 0 : i32
    %dma_start3A_72 = arith.constant 0 : i32
    %dma_start3A_73 = tpu.memref_slice %dma_start3A_70[%add3A, %dma_start3A_71, %dma_start3A_72] : memref<32x128x50xf32, #tpu.memory_space<hbm>> -> memref<1x128x50xf32, #tpu.memory_space<hbm>>
    %dma_start3A_74 = tpu.memref_squeeze %dma_start3A_73 : memref<1x128x50xf32, #tpu.memory_space<hbm>> -> memref<128x50xf32, #tpu.memory_space<hbm>>
    %dma_start3A_75 = arith.constant 0 : i32
    %dma_start3A_76 = arith.constant 0 : i32
    %dma_start3A_77 = tpu.memref_slice %dma_start3A_74[%dma_start3A_75, %dma_start3A_76] : memref<128x50xf32, #tpu.memory_space<hbm>> -> memref<64x50xf32, #tpu.memory_space<hbm>>
    %dma_start3A_78 = tpu.memref_reshape %arg4 : memref<4096x50xf32, #tpu.memory_space<hbm>> -> memref<32x128x50xf32, #tpu.memory_space<hbm>>
    %dma_start3A_79 = arith.constant 0 : i32
    %dma_start3A_80 = arith.constant 0 : i32
    %dma_start3A_81 = tpu.memref_slice %dma_start3A_78[%add3A, %dma_start3A_79, %dma_start3A_80] : memref<32x128x50xf32, #tpu.memory_space<hbm>> -> memref<1x128x50xf32, #tpu.memory_space<hbm>>
    %dma_start3A_82 = tpu.memref_squeeze %dma_start3A_81 : memref<1x128x50xf32, #tpu.memory_space<hbm>> -> memref<128x50xf32, #tpu.memory_space<hbm>>
    %dma_start3A_83 = arith.constant 0 : i32
    %dma_start3A_84 = arith.constant 0 : i32
    %dma_start3A_85 = tpu.memref_slice %dma_start3A_82[%dma_start3A_83, %dma_start3A_84] : memref<128x50xf32, #tpu.memory_space<hbm>> -> memref<64x50xf32, #tpu.memory_space<hbm>>
    %dma_start3A_86 = arith.constant 0 : i32
    %dma_start3A_87 = arith.constant 0 : i32
    %dma_start3A_88 = tpu.memref_slice %arg6[%dma_start3A_86, %dma_start3A_87] : memref<128x50xf32, #tpu.memory_space<vmem>> -> memref<64x50xf32, #tpu.memory_space<vmem>>
    tpu.enqueue_dma source(%dma_start3A_88 : memref<64x50xf32, #tpu.memory_space<vmem>>) target(%dma_start3A_85 : memref<64x50xf32, #tpu.memory_space<hbm>>) target_semaphore(%arg11 : memref<!tpu.dma_semaphore, #tpu.memory_space<semaphore_mem>>)
    %dma_wait3A_89 = arith.constant 64 : i32
    %dma_wait3A_90 = arith.constant 0 : i32
    %dma_wait3A_91 = tpu.memref_slice %arg5[%dma_wait3A_89, %dma_wait3A_90] : memref<128x50xi32, #tpu.memory_space<vmem>> -> memref<64x50xi32, #tpu.memory_space<vmem>>
    %dma_wait3A_92 = tpu.memref_reshape %arg2 : memref<4096x50xi32, #tpu.memory_space<hbm>> -> memref<32x128x50xi32, #tpu.memory_space<hbm>>
    %dma_wait3A_93 = arith.constant 0 : i32
    %dma_wait3A_94 = arith.constant 0 : i32
    %dma_wait3A_95 = tpu.memref_slice %dma_wait3A_92[%add3A, %dma_wait3A_93, %dma_wait3A_94] : memref<32x128x50xi32, #tpu.memory_space<hbm>> -> memref<1x128x50xi32, #tpu.memory_space<hbm>>
    %dma_wait3A_96 = tpu.memref_squeeze %dma_wait3A_95 : memref<1x128x50xi32, #tpu.memory_space<hbm>> -> memref<128x50xi32, #tpu.memory_space<hbm>>
    %dma_wait3A_97 = arith.constant 64 : i32
    %dma_wait3A_98 = arith.constant 0 : i32
    %dma_wait3A_99 = tpu.memref_slice %dma_wait3A_96[%dma_wait3A_97, %dma_wait3A_98] : memref<128x50xi32, #tpu.memory_space<hbm>> -> memref<64x50xi32, #tpu.memory_space<hbm>>
    %dma_wait3A_100 = arith.constant 64 : i32
    %dma_wait3A_101 = arith.constant 0 : i32
    %dma_wait3A_102 = tpu.memref_slice %arg5[%dma_wait3A_100, %dma_wait3A_101] : memref<128x50xi32, #tpu.memory_space<vmem>> -> memref<64x50xi32, #tpu.memory_space<vmem>>
    %dma_wait3A_103 = tpu.memref_reshape %arg2 : memref<4096x50xi32, #tpu.memory_space<hbm>> -> memref<32x128x50xi32, #tpu.memory_space<hbm>>
    %dma_wait3A_104 = arith.constant 0 : i32
    %dma_wait3A_105 = arith.constant 0 : i32
    %dma_wait3A_106 = tpu.memref_slice %dma_wait3A_103[%add3A, %dma_wait3A_104, %dma_wait3A_105] : memref<32x128x50xi32, #tpu.memory_space<hbm>> -> memref<1x128x50xi32, #tpu.memory_space<hbm>>
    %dma_wait3A_107 = tpu.memref_squeeze %dma_wait3A_106 : memref<1x128x50xi32, #tpu.memory_space<hbm>> -> memref<128x50xi32, #tpu.memory_space<hbm>>
    %dma_wait3A_108 = arith.constant 64 : i32
    %dma_wait3A_109 = arith.constant 0 : i32
    %dma_wait3A_110 = tpu.memref_slice %dma_wait3A_107[%dma_wait3A_108, %dma_wait3A_109] : memref<128x50xi32, #tpu.memory_space<hbm>> -> memref<64x50xi32, #tpu.memory_space<hbm>>
    tpu.wait_dma2 semaphore(%arg10 : memref<!tpu.dma_semaphore, #tpu.memory_space<semaphore_mem>>) src(%dma_wait3A_110 : memref<64x50xi32, #tpu.memory_space<hbm>>) dst(%dma_wait3A_102 : memref<64x50xi32, #tpu.memory_space<vmem>>)
    %parallel_loop3A_111 = arith.constant 64 : i32
    %parallel_loop3A_112 = arith.constant 128 : i32
    %parallel_loop3A_113 = arith.constant 1 : i32
    scf.for %parallel_loop3A_136 = %parallel_loop3A_111 to %parallel_loop3A_112 step %parallel_loop3A_113  : i32 {
      %parallel_loop3A_137 = arith.index_cast %parallel_loop3A_136 : i32 to index
      %parallel_loop3A_138 = arith.constant 0 : index
      %parallel_loop3A_139 = tpu.vector_load %arg5[%parallel_loop3A_137, %parallel_loop3A_138] {strides = array<i32>} : memref<128x50xi32, #tpu.memory_space<vmem>>, vector<16xi32>,
      %parallel_loop3A_140 = arith.sitofp %parallel_loop3A_139 : vector<16xi32> to vector<16xf32>
      %parallel_loop3A_141 = arith.constant 0.00999999977 : f32
      %parallel_loop3A_142 = vector.broadcast %parallel_loop3A_141 : f32 to vector<16xf32>
      %parallel_loop3A_143 = arith.mulf %parallel_loop3A_140, %parallel_loop3A_142 : vector<16xf32>
      %parallel_loop3A_144 = arith.fptosi %parallel_loop3A_143 : vector<16xf32> to vector<16xi32>
      %parallel_loop3A_145 = arith.constant 1001 : i32
      %parallel_loop3A_146 = vector.broadcast %parallel_loop3A_145 : i32 to vector<16xi32>
      %parallel_loop3A_147 = arith.cmpi slt, %parallel_loop3A_139, %parallel_loop3A_146 : vector<16xi32>
      %parallel_loop3A_148 = arith.constant 1001 : i32
      %parallel_loop3A_149 = vector.broadcast %parallel_loop3A_148 : i32 to vector<16xi32>
      %parallel_loop3A_150 = arith.addi %parallel_loop3A_149, %parallel_loop3A_139 : vector<16xi32>
      %parallel_loop3A_151 = arith.constant 100 : i32
      %parallel_loop3A_152 = vector.broadcast %parallel_loop3A_151 : i32 to vector<16xi32>
      %parallel_loop3A_153 = arith.muli %parallel_loop3A_144, %parallel_loop3A_152 : vector<16xi32>
      %parallel_loop3A_154 = arith.subi %parallel_loop3A_150, %parallel_loop3A_153 : vector<16xi32>
      %parallel_loop3A_155 = arith.select %parallel_loop3A_147, %parallel_loop3A_139, %parallel_loop3A_154 : vector<16xi1>, vector<16xi32>
      %parallel_loop3A_156 = tpu.vector_load_idx %arg7[%parallel_loop3A_155] : memref<1101xf32, #tpu.memory_space<vmem>>[vector<16xi32>], vector<16xf32>,
      %parallel_loop3A_157 = arith.index_cast %parallel_loop3A_136 : i32 to index
      %parallel_loop3A_158 = arith.constant 0 : index
      %parallel_loop3A_159 = tpu.vector_load %arg6[%parallel_loop3A_157, %parallel_loop3A_158] {strides = array<i32>} : memref<128x50xf32, #tpu.memory_space<vmem>>, vector<16xf32>,
      tpu.vector_store %arg6[%parallel_loop3A_157, %parallel_loop3A_158], %parallel_loop3A_156 {strides = array<i32>} : memref<128x50xf32, #tpu.memory_space<vmem>>, vector<16xf32>,
      %parallel_loop3A_160 = arith.index_cast %parallel_loop3A_136 : i32 to index
      %parallel_loop3A_161 = arith.constant 16 : index
      %parallel_loop3A_162 = tpu.vector_load %arg5[%parallel_loop3A_160, %parallel_loop3A_161] {strides = array<i32>} : memref<128x50xi32, #tpu.memory_space<vmem>>, vector<16xi32>,
      %parallel_loop3A_163 = arith.sitofp %parallel_loop3A_162 : vector<16xi32> to vector<16xf32>
      %parallel_loop3A_164 = arith.constant 0.00999999977 : f32
      %parallel_loop3A_165 = vector.broadcast %parallel_loop3A_164 : f32 to vector<16xf32>
      %parallel_loop3A_166 = arith.mulf %parallel_loop3A_163, %parallel_loop3A_165 : vector<16xf32>
      %parallel_loop3A_167 = arith.fptosi %parallel_loop3A_166 : vector<16xf32> to vector<16xi32>
      %parallel_loop3A_168 = arith.constant 1001 : i32
      %parallel_loop3A_169 = vector.broadcast %parallel_loop3A_168 : i32 to vector<16xi32>
      %parallel_loop3A_170 = arith.cmpi slt, %parallel_loop3A_162, %parallel_loop3A_169 : vector<16xi32>
      %parallel_loop3A_171 = arith.constant 1001 : i32
      %parallel_loop3A_172 = vector.broadcast %parallel_loop3A_171 : i32 to vector<16xi32>
      %parallel_loop3A_173 = arith.addi %parallel_loop3A_172, %parallel_loop3A_162 : vector<16xi32>
      %parallel_loop3A_174 = arith.constant 100 : i32
      %parallel_loop3A_175 = vector.broadcast %parallel_loop3A_174 : i32 to vector<16xi32>
      %parallel_loop3A_176 = arith.muli %parallel_loop3A_167, %parallel_loop3A_175 : vector<16xi32>
      %parallel_loop3A_177 = arith.subi %parallel_loop3A_173, %parallel_loop3A_176 : vector<16xi32>
      %parallel_loop3A_178 = arith.select %parallel_loop3A_170, %parallel_loop3A_162, %parallel_loop3A_177 : vector<16xi1>, vector<16xi32>
      %parallel_loop3A_179 = tpu.vector_load_idx %arg7[%parallel_loop3A_178] : memref<1101xf32, #tpu.memory_space<vmem>>[vector<16xi32>], vector<16xf32>,
      %parallel_loop3A_180 = arith.index_cast %parallel_loop3A_136 : i32 to index
      %parallel_loop3A_181 = arith.constant 16 : index
      %parallel_loop3A_182 = tpu.vector_load %arg6[%parallel_loop3A_180, %parallel_loop3A_181] {strides = array<i32>} : memref<128x50xf32, #tpu.memory_space<vmem>>, vector<16xf32>,
      tpu.vector_store %arg6[%parallel_loop3A_180, %parallel_loop3A_181], %parallel_loop3A_179 {strides = array<i32>} : memref<128x50xf32, #tpu.memory_space<vmem>>, vector<16xf32>,
      %parallel_loop3A_183 = arith.index_cast %parallel_loop3A_136 : i32 to index
      %parallel_loop3A_184 = arith.constant 32 : index
      %parallel_loop3A_185 = tpu.vector_load %arg5[%parallel_loop3A_183, %parallel_loop3A_184] {strides = array<i32>} : memref<128x50xi32, #tpu.memory_space<vmem>>, vector<16xi32>,
      %parallel_loop3A_186 = arith.sitofp %parallel_loop3A_185 : vector<16xi32> to vector<16xf32>
      %parallel_loop3A_187 = arith.constant 0.00999999977 : f32
      %parallel_loop3A_188 = vector.broadcast %parallel_loop3A_187 : f32 to vector<16xf32>
      %parallel_loop3A_189 = arith.mulf %parallel_loop3A_186, %parallel_loop3A_188 : vector<16xf32>
      %parallel_loop3A_190 = arith.fptosi %parallel_loop3A_189 : vector<16xf32> to vector<16xi32>
      %parallel_loop3A_191 = arith.constant 1001 : i32
      %parallel_loop3A_192 = vector.broadcast %parallel_loop3A_191 : i32 to vector<16xi32>
      %parallel_loop3A_193 = arith.cmpi slt, %parallel_loop3A_185, %parallel_loop3A_192 : vector<16xi32>
      %parallel_loop3A_194 = arith.constant 1001 : i32
      %parallel_loop3A_195 = vector.broadcast %parallel_loop3A_194 : i32 to vector<16xi32>
      %parallel_loop3A_196 = arith.addi %parallel_loop3A_195, %parallel_loop3A_185 : vector<16xi32>
      %parallel_loop3A_197 = arith.constant 100 : i32
      %parallel_loop3A_198 = vector.broadcast %parallel_loop3A_197 : i32 to vector<16xi32>
      %parallel_loop3A_199 = arith.muli %parallel_loop3A_190, %parallel_loop3A_198 : vector<16xi32>
      %parallel_loop3A_200 = arith.subi %parallel_loop3A_196, %parallel_loop3A_199 : vector<16xi32>
      %parallel_loop3A_201 = arith.select %parallel_loop3A_193, %parallel_loop3A_185, %parallel_loop3A_200 : vector<16xi1>, vector<16xi32>
      %parallel_loop3A_202 = tpu.vector_load_idx %arg7[%parallel_loop3A_201] : memref<1101xf32, #tpu.memory_space<vmem>>[vector<16xi32>], vector<16xf32>,
      %parallel_loop3A_203 = arith.index_cast %parallel_loop3A_136 : i32 to index
      %parallel_loop3A_204 = arith.constant 32 : index
      %parallel_loop3A_205 = tpu.vector_load %arg6[%parallel_loop3A_203, %parallel_loop3A_204] {strides = array<i32>} : memref<128x50xf32, #tpu.memory_space<vmem>>, vector<16xf32>,
      tpu.vector_store %arg6[%parallel_loop3A_203, %parallel_loop3A_204], %parallel_loop3A_202 {strides = array<i32>} : memref<128x50xf32, #tpu.memory_space<vmem>>, vector<16xf32>,
      %parallel_loop3A_206 = arith.index_cast %parallel_loop3A_136 : i32 to index
      %parallel_loop3A_207 = arith.constant 34 : index
      %parallel_loop3A_208 = tpu.vector_load %arg5[%parallel_loop3A_206, %parallel_loop3A_207] {strides = array<i32>} : memref<128x50xi32, #tpu.memory_space<vmem>>, vector<16xi32>,
      %parallel_loop3A_209 = arith.sitofp %parallel_loop3A_208 : vector<16xi32> to vector<16xf32>
      %parallel_loop3A_210 = arith.constant 0.00999999977 : f32
      %parallel_loop3A_211 = vector.broadcast %parallel_loop3A_210 : f32 to vector<16xf32>
      %parallel_loop3A_212 = arith.mulf %parallel_loop3A_209, %parallel_loop3A_211 : vector<16xf32>
      %parallel_loop3A_213 = arith.fptosi %parallel_loop3A_212 : vector<16xf32> to vector<16xi32>
      %parallel_loop3A_214 = arith.constant 1001 : i32
      %parallel_loop3A_215 = vector.broadcast %parallel_loop3A_214 : i32 to vector<16xi32>
      %parallel_loop3A_216 = arith.cmpi slt, %parallel_loop3A_208, %parallel_loop3A_215 : vector<16xi32>
      %parallel_loop3A_217 = arith.constant 1001 : i32
      %parallel_loop3A_218 = vector.broadcast %parallel_loop3A_217 : i32 to vector<16xi32>
      %parallel_loop3A_219 = arith.addi %parallel_loop3A_218, %parallel_loop3A_208 : vector<16xi32>
      %parallel_loop3A_220 = arith.constant 100 : i32
      %parallel_loop3A_221 = vector.broadcast %parallel_loop3A_220 : i32 to vector<16xi32>
      %parallel_loop3A_222 = arith.muli %parallel_loop3A_213, %parallel_loop3A_221 : vector<16xi32>
      %parallel_loop3A_223 = arith.subi %parallel_loop3A_219, %parallel_loop3A_222 : vector<16xi32>
      %parallel_loop3A_224 = arith.select %parallel_loop3A_216, %parallel_loop3A_208, %parallel_loop3A_223 : vector<16xi1>, vector<16xi32>
      %parallel_loop3A_225 = tpu.vector_load_idx %arg7[%parallel_loop3A_224] : memref<1101xf32, #tpu.memory_space<vmem>>[vector<16xi32>], vector<16xf32>,
      %parallel_loop3A_226 = arith.index_cast %parallel_loop3A_136 : i32 to index
      %parallel_loop3A_227 = arith.constant 34 : index
      %parallel_loop3A_228 = tpu.vector_load %arg6[%parallel_loop3A_226, %parallel_loop3A_227] {strides = array<i32>} : memref<128x50xf32, #tpu.memory_space<vmem>>, vector<16xf32>,
      tpu.vector_store %arg6[%parallel_loop3A_226, %parallel_loop3A_227], %parallel_loop3A_225 {strides = array<i32>} : memref<128x50xf32, #tpu.memory_space<vmem>>, vector<16xf32>,
    } {sc.loop_unroll_factor = 2 : i64, sc.parallel_access}
    %dma_wait3A_114 = arith.constant 0 : i32
    %dma_wait3A_115 = arith.constant 0 : i32
    %dma_wait3A_116 = tpu.memref_slice %arg6[%dma_wait3A_114, %dma_wait3A_115] : memref<128x50xf32, #tpu.memory_space<vmem>> -> memref<64x50xf32, #tpu.memory_space<vmem>>
    %dma_wait3A_117 = tpu.memref_reshape %arg4 : memref<4096x50xf32, #tpu.memory_space<hbm>> -> memref<32x128x50xf32, #tpu.memory_space<hbm>>
    %dma_wait3A_118 = arith.constant 0 : i32
    %dma_wait3A_119 = arith.constant 0 : i32
    %dma_wait3A_120 = tpu.memref_slice %dma_wait3A_117[%add3A, %dma_wait3A_118, %dma_wait3A_119] : memref<32x128x50xf32, #tpu.memory_space<hbm>> -> memref<1x128x50xf32, #tpu.memory_space<hbm>>
    %dma_wait3A_121 = tpu.memref_squeeze %dma_wait3A_120 : memref<1x128x50xf32, #tpu.memory_space<hbm>> -> memref<128x50xf32, #tpu.memory_space<hbm>>
    %dma_wait3A_122 = arith.constant 0 : i32
    %dma_wait3A_123 = arith.constant 0 : i32
    %dma_wait3A_124 = tpu.memref_slice %dma_wait3A_121[%dma_wait3A_122, %dma_wait3A_123] : memref<128x50xf32, #tpu.memory_space<hbm>> -> memref<64x50xf32, #tpu.memory_space<hbm>>
    %dma_wait3A_125 = tpu.memref_reshape %arg4 : memref<4096x50xf32, #tpu.memory_space<hbm>> -> memref<32x128x50xf32, #tpu.memory_space<hbm>>
    %dma_wait3A_126 = arith.constant 0 : i32
    %dma_wait3A_127 = arith.constant 0 : i32
    %dma_wait3A_128 = tpu.memref_slice %dma_wait3A_125[%add3A, %dma_wait3A_126, %dma_wait3A_127] : memref<32x128x50xf32, #tpu.memory_space<hbm>> -> memref<1x128x50xf32, #tpu.memory_space<hbm>>
    %dma_wait3A_129 = tpu.memref_squeeze %dma_wait3A_128 : memref<1x128x50xf32, #tpu.memory_space<hbm>> -> memref<128x50xf32, #tpu.memory_space<hbm>>
    %dma_wait3A_130 = arith.constant 0 : i32
    %dma_wait3A_131 = arith.constant 0 : i32
    %dma_wait3A_132 = tpu.memref_slice %dma_wait3A_129[%dma_wait3A_130, %dma_wait3A_131] : memref<128x50xf32, #tpu.memory_space<hbm>> -> memref<64x50xf32, #tpu.memory_space<hbm>>
    %dma_wait3A_133 = arith.constant 0 : i32
    %dma_wait3A_134 = arith.constant 0 : i32
    %dma_wait3A_135 = tpu.memref_slice %arg6[%dma_wait3A_133, %dma_wait3A_134] : memref<128x50xf32, #tpu.memory_space<vmem>> -> memref<64x50xf32, #tpu.memory_space<vmem>>
    tpu.wait_dma2 semaphore(%arg11 : memref<!tpu.dma_semaphore, #tpu.memory_space<semaphore_mem>>) src(%dma_wait3A_135 : memref<64x50xf32, #tpu.memory_space<vmem>>) dst(%dma_wait3A_132 : memref<64x50xf32, #tpu.memory_space<hbm>>)
    "tpu.region"() ({
      %run_scoped3A = tpu.sem_alloc : memref<!tpu.dma_semaphore, #tpu.memory_space<semaphore_mem>>
      %dma_start3A_136 = arith.constant 64 : i32
      %dma_start3A_137 = arith.constant 0 : i32
      %dma_start3A_138 = tpu.memref_slice %arg6[%dma_start3A_136, %dma_start3A_137] : memref<128x50xf32, #tpu.memory_space<vmem>> -> memref<64x50xf32, #tpu.memory_space<vmem>>
      %dma_start3A_139 = tpu.memref_reshape %arg4 : memref<4096x50xf32, #tpu.memory_space<hbm>> -> memref<32x128x50xf32, #tpu.memory_space<hbm>>
      %dma_start3A_140 = arith.constant 0 : i32
      %dma_start3A_141 = arith.constant 0 : i32
      %dma_start3A_142 = tpu.memref_slice %dma_start3A_139[%add3A, %dma_start3A_140, %dma_start3A_141] : memref<32x128x50xf32, #tpu.memory_space<hbm>> -> memref<1x128x50xf32, #tpu.memory_space<hbm>>
      %dma_start3A_143 = tpu.memref_squeeze %dma_start3A_142 : memref<1x128x50xf32, #tpu.memory_space<hbm>> -> memref<128x50xf32, #tpu.memory_space<hbm>>
      %dma_start3A_144 = arith.constant 64 : i32
      %dma_start3A_145 = arith.constant 0 : i32
      %dma_start3A_146 = tpu.memref_slice %dma_start3A_143[%dma_start3A_144, %dma_start3A_145] : memref<128x50xf32, #tpu.memory_space<hbm>> -> memref<64x50xf32, #tpu.memory_space<hbm>>
      %dma_start3A_147 = tpu.memref_reshape %arg4 : memref<4096x50xf32, #tpu.memory_space<hbm>> -> memref<32x128x50xf32, #tpu.memory_space<hbm>>
      %dma_start3A_148 = arith.constant 0 : i32
      %dma_start3A_149 = arith.constant 0 : i32
      %dma_start3A_150 = tpu.memref_slice %dma_start3A_147[%add3A, %dma_start3A_148, %dma_start3A_149] : memref<32x128x50xf32, #tpu.memory_space<hbm>> -> memref<1x128x50xf32, #tpu.memory_space<hbm>>
      %dma_start3A_151 = tpu.memref_squeeze %dma_start3A_150 : memref<1x128x50xf32, #tpu.memory_space<hbm>> -> memref<128x50xf32, #tpu.memory_space<hbm>>
      %dma_start3A_152 = arith.constant 64 : i32
      %dma_start3A_153 = arith.constant 0 : i32
      %dma_start3A_154 = tpu.memref_slice %dma_start3A_151[%dma_start3A_152, %dma_start3A_153] : memref<128x50xf32, #tpu.memory_space<hbm>> -> memref<64x50xf32, #tpu.memory_space<hbm>>
      %dma_start3A_155 = arith.constant 64 : i32
      %dma_start3A_156 = arith.constant 0 : i32
      %dma_start3A_157 = tpu.memref_slice %arg6[%dma_start3A_155, %dma_start3A_156] : memref<128x50xf32, #tpu.memory_space<vmem>> -> memref<64x50xf32, #tpu.memory_space<vmem>>
      tpu.enqueue_dma source(%dma_start3A_157 : memref<64x50xf32, #tpu.memory_space<vmem>>) target(%dma_start3A_154 : memref<64x50xf32, #tpu.memory_space<hbm>>) target_semaphore(%run_scoped3A : memref<!tpu.dma_semaphore, #tpu.memory_space<semaphore_mem>>)
      %dma_wait3A_158 = arith.constant 64 : i32
      %dma_wait3A_159 = arith.constant 0 : i32
      %dma_wait3A_160 = tpu.memref_slice %arg6[%dma_wait3A_158, %dma_wait3A_159] : memref<128x50xf32, #tpu.memory_space<vmem>> -> memref<64x50xf32, #tpu.memory_space<vmem>>
      %dma_wait3A_161 = tpu.memref_reshape %arg4 : memref<4096x50xf32, #tpu.memory_space<hbm>> -> memref<32x128x50xf32, #tpu.memory_space<hbm>>
      %dma_wait3A_162 = arith.constant 0 : i32
      %dma_wait3A_163 = arith.constant 0 : i32
      %dma_wait3A_164 = tpu.memref_slice %dma_wait3A_161[%add3A, %dma_wait3A_162, %dma_wait3A_163] : memref<32x128x50xf32, #tpu.memory_space<hbm>> -> memref<1x128x50xf32, #tpu.memory_space<hbm>>
      %dma_wait3A_165 = tpu.memref_squeeze %dma_wait3A_164 : memref<1x128x50xf32, #tpu.memory_space<hbm>> -> memref<128x50xf32, #tpu.memory_space<hbm>>
      %dma_wait3A_166 = arith.constant 64 : i32
      %dma_wait3A_167 = arith.constant 0 : i32
      %dma_wait3A_168 = tpu.memref_slice %dma_wait3A_165[%dma_wait3A_166, %dma_wait3A_167] : memref<128x50xf32, #tpu.memory_space<hbm>> -> memref<64x50xf32, #tpu.memory_space<hbm>>
      %dma_wait3A_169 = tpu.memref_reshape %arg4 : memref<4096x50xf32, #tpu.memory_space<hbm>> -> memref<32x128x50xf32, #tpu.memory_space<hbm>>
      %dma_wait3A_170 = arith.constant 0 : i32
      %dma_wait3A_171 = arith.constant 0 : i32
      %dma_wait3A_172 = tpu.memref_slice %dma_wait3A_169[%add3A, %dma_wait3A_170, %dma_wait3A_171] : memref<32x128x50xf32, #tpu.memory_space<hbm>> -> memref<1x128x50xf32, #tpu.memory_space<hbm>>
      %dma_wait3A_173 = tpu.memref_squeeze %dma_wait3A_172 : memref<1x128x50xf32, #tpu.memory_space<hbm>> -> memref<128x50xf32, #tpu.memory_space<hbm>>
      %dma_wait3A_174 = arith.constant 64 : i32
      %dma_wait3A_175 = arith.constant 0 : i32
      %dma_wait3A_176 = tpu.memref_slice %dma_wait3A_173[%dma_wait3A_174, %dma_wait3A_175] : memref<128x50xf32, #tpu.memory_space<hbm>> -> memref<64x50xf32, #tpu.memory_space<hbm>>
      %dma_wait3A_177 = arith.constant 64 : i32
      %dma_wait3A_178 = arith.constant 0 : i32
      %dma_wait3A_179 = tpu.memref_slice %arg6[%dma_wait3A_177, %dma_wait3A_178] : memref<128x50xf32, #tpu.memory_space<vmem>> -> memref<64x50xf32, #tpu.memory_space<vmem>>
      tpu.wait_dma2 semaphore(%run_scoped3A : memref<!tpu.dma_semaphore, #tpu.memory_space<semaphore_mem>>) src(%dma_wait3A_179 : memref<64x50xf32, #tpu.memory_space<vmem>>) dst(%dma_wait3A_176 : memref<64x50xf32, #tpu.memory_space<hbm>>)
      tpu.yield
    }) : () -> ()
    return
  }
}

</mosaic_0001>

<sc_bundles>
// kernel: kernel.3.cloned.1.call-start
scs
__scs_entry_jumppad:
0x0: {  	(pc) =	sbr.rel $0x88, $3  }
0x1: {  	(tag) =	ssettag $0x0;
	lr =	simm.s32 $0x1  }
0x2: {  	[smem:$0x3F9F] =	sst lr;
	_ =	strace $0xD0000000  }
0x3: {  	_ = 	snop  }
0x4: {  	_ = 	snop  }
0x5: {  	_ = 	snop  }
0x6: {  	_ = 	snop  }
0x7: {  	_ = 	snop  }
__scs_overlays_trampoline_lowered:
0x8: {  	[smem:$0x3FAE] =	sst s0  }
0x9: {  	[smem:$0x3FAF] =	sst s1  }
0xa: {  	[smem:$0x3FB0] =	sst s2  }
0xb: {  	[smem:$0x3FB1] =	sst s3  }
0xc: {  	[smem:$0x3FB2] =	sst s4  }
0xd: {  	[smem:$0x3FB3] =	sst s5  }
0xe: {  	[smem:$0x3FB4] =	sst s6  }
0xf: {  	[smem:$0x3FB5] =	sst s7  }
0x10: {  	[smem:$0x3FB6] =	sst s8  }
0x11: {  	[smem:$0x3FB7] =	sst s9;
	s0 =	simm.s32 @!p0 $0x0  }
0x12: {  	s1 =	sld [smem:$0x3F9D];
	s0 =	simm.s32 @p0 $0x1  }
0x13: {  	[smem:$0x3FB8] =	sst s0;
	s0 =	simm.s32 @!p1 $0x0  }
0x14: {  	s2 =	sld [smem:$0x3F9C];
	s0 =	simm.s32 @p1 $0x1  }
0x15: {  	[smem:$0x3FB9] =	sst s0;
	s0 =	simm.s32 @!p2 $0x0  }
0x16: {  	s3 =	sld [smem:$0x3FDB];
	s0 =	simm.s32 @p2 $0x1  }
0x17: {  	s4 =	simm.s32 $0x1BF5;
	[smem:$0x3FBB] =	sst s0  }
0x18: {  	s0 =	sld [smem:$0x3F9E];
	_ =	swait.ge [sflag:s4], $0x0  }
0x19: {  	s7 =	sld [smem:$0x3F9F]  }
0x1a: {  	s8 =	sadd.s32 $0xFFFFE003, lr  }
0x1b: {  	s9 =	sadd.s32 $0xFFFFFEF7, lr;
	s5 =	simm.s32 $0xFFFFFFFF;
	p2 =	slt.u32 s8, $0xFFFFF086  }
0x1c: {  	p1 =	slt.u32 s9, $0xF7A;
	s5 =	simm.s32 @!p2 $0x0  }
0x1d: {  	s5 =	simm.s32 @p1 $0x1;
	p0 =	seq.s32 s7, s2  }
0x1e: {  	s7 =	smul.u32 @!p0 $0xF7A, s2;
	p2 =	seq.s32 @!p0 s5, $0x0  }
0x1f: {  	s9 =	smul.u32 $0xF7A, s1;
	s8 =	simm.s32 @!p0 $0x1BF5;
	p2 =	por !p2, p0  }
0x20: {  	[sflag:s8] =	ssyncset.s32 @!p0 $0xFFFFF086;
	s6 =	sadd.s32 @!p0 s3, s7;
	s7 =	simm.s32 @!p0 $0x108  }
0x21: {  	s3 =	sadd.s32 s3, s9;
	s6 =	sadd.s32 @!p0 $0x88, s6;
	s7 =	simm.s32 @p2 $0x1082  }
0x22: {  	[simem:s7], [sflag:s8] =	dma.local @!p0 [hbm:s6], $0xF7A  }
0x23: {  	s9 =	sor.u32 $0xD0000000, s2;
	s6 =	simm.s32 $0x108;
	_ =	swait.ge @!p0 [sflag:s8], $0x0  }
0x24: {  	s3 =	sadd.s32 $0x88, s3;
	s6 =	simm.s32 @!p1 $0x1082;
	[sflag:s4] =	ssyncset.s32 $0xFFFFF086  }
0x25: {  	[simem:s6], [sflag:s4] =	dma.local [hbm:s3], $0xF7A  }
0x26: {  	[smem:$0x3F9F] =	sst s1;
	(tag) =	ssettag s2;
	_ =	strace s9  }
0x27: {  	s1 =	sld [smem:$0x3FAF]  }
0x28: {  	s2 =	sld [smem:$0x3FB0]  }
0x29: {  	s4 =	sld [smem:$0x3FB2]  }
0x2a: {  	p0 =	seq.s32 s5, $0x0;
	s5 =	sld [smem:$0x3FB3]  }
0x2b: {  	s6 =	sld [smem:$0x3FB4]  }
0x2c: {  	s7 =	sld [smem:$0x3FB5]  }
0x2d: {  	s3 =	simm.s32 $0x108;
	s8 =	sld [smem:$0x3FB6]  }
0x2e: {  	s3 =	simm.s32 @!p0 $0x1082;
	s9 =	sld [smem:$0x3FB7]  }
0x2f: {  	lr =	sadd.s32 s0, s3;
	s0 =	sld [smem:$0x3FAE]  }
0x30: {  	s3 =	sld [smem:$0x3FB1]  }
0x31: {  	[smem:$0x3FBA] =	sst s10  }
0x32: {  	s10 =	sld [smem:$0x3FB8];
	_ =	sdelay $0x3  }
0x33: {  	p0 =	seq.s32 s10, $0x1;
	s10 =	sld [smem:$0x3FBA];
	_ =	sdelay $0x3  }
0x34: {  	[smem:$0x3FBA] =	sst s10  }
0x35: {  	s10 =	sld [smem:$0x3FB9];
	_ =	sdelay $0x3  }
0x36: {  	p1 =	seq.s32 s10, $0x1;
	s10 =	sld [smem:$0x3FBA];
	_ =	sdelay $0x3  }
0x37: {  	[smem:$0x3FBA] =	sst s10  }
0x38: {  	s10 =	sld [smem:$0x3FBB]  }
0x39: {  	_ = 	snop;
	(pc) =	sbr.ind lr, $3  }
0x3a: {  	_ = 	snop  }
0x3b: {  	_ = 	snop  }
0x3c: {  	p2 =	seq.s32 s10, $0x1;
	s10 =	sld [smem:$0x3FBA]  }
0x3d: {  	_ =	shalt  }
0x3e: {  	_ =	shalt  }
0x3f: {  	_ =	shalt  }
0x40: {  	_ =	shalt  }
0x41: {  	_ =	shalt  }
0x42: {  	_ =	shalt  }
0x43: {  	_ =	shalt  }
0x44: {  	_ =	shalt  }
0x45: {  	_ =	shalt  }
0x46: {  	_ =	shalt  }
0x47: {  	_ =	shalt  }
0x48: {  	_ =	shalt  }
0x49: {  	_ =	shalt  }
0x4a: {  	_ =	shalt  }
0x4b: {  	_ =	shalt  }
0x4c: {  	_ =	shalt  }
0x4d: {  	_ =	shalt  }
0x4e: {  	_ =	shalt  }
0x4f: {  	_ =	shalt  }
0x50: {  	_ =	shalt  }
0x51: {  	_ =	shalt  }
0x52: {  	_ =	shalt  }
0x53: {  	_ =	shalt  }
0x54: {  	_ =	shalt  }
0x55: {  	_ =	shalt  }
0x56: {  	_ =	shalt  }
0x57: {  	_ =	shalt  }
0x58: {  	_ =	shalt  }
0x59: {  	_ =	shalt  }
0x5a: {  	_ =	shalt  }
0x5b: {  	_ =	shalt  }
0x5c: {  	_ =	shalt  }
0x5d: {  	_ =	shalt  }
0x5e: {  	_ =	shalt  }
0x5f: {  	_ =	shalt  }
0x60: {  	_ =	shalt  }
0x61: {  	_ =	shalt  }
0x62: {  	_ =	shalt  }
0x63: {  	_ =	shalt  }
0x64: {  	_ =	shalt  }
0x65: {  	_ =	shalt  }
0x66: {  	_ =	shalt  }
0x67: {  	_ =	shalt  }
0x68: {  	_ =	shalt  }
0x69: {  	_ =	shalt  }
0x6a: {  	_ =	shalt  }
0x6b: {  	_ =	shalt  }
0x6c: {  	_ =	shalt  }
0x6d: {  	_ =	shalt  }
0x6e: {  	_ =	shalt  }
0x6f: {  	_ =	shalt  }
0x70: {  	_ =	shalt  }
0x71: {  	_ =	shalt  }
0x72: {  	_ =	shalt  }
0x73: {  	_ =	shalt  }
0x74: {  	_ =	shalt  }
0x75: {  	_ =	shalt  }
0x76: {  	_ =	shalt  }
0x77: {  	_ =	shalt  }
0x78: {  	_ =	shalt  }
0x79: {  	_ =	shalt  }
0x7a: {  	_ =	shalt  }
0x7b: {  	_ =	shalt  }
0x7c: {  	_ =	shalt  }
0x7d: {  	_ =	shalt  }
0x7e: {  	_ =	shalt  }
0x7f: {  	_ =	shalt  }
0x80: {  	_ =	shalt  }
0x81: {  	_ =	shalt  }
0x82: {  	_ =	shalt  }
0x83: {  	_ =	shalt  }
0x84: {  	_ =	shalt  }
0x85: {  	_ =	shalt  }
0x86: {  	_ =	shalt  }
0x87: {  	_ =	shalt  }
.Lfunc_end0:
.L_simem_size_0:
called_computation_lowered:
.L_overlay_start_0:
0x88: {  	s2 =	sld [smem:$0x3FD9]  }
0x89: {  	s3 =	sld [smem:$0x3FFE];
	_ =	sdelay $0x1  }
0x8a: {  	s1 =	srdreg.scid  }
0x8b: {  	s0 =	sand.u32 $0x1, s1  }
0x8c: {  	s17 =	sshll.u32 s0, $0xA;
	s2 =	sadd.s32 s3, s2  }
0x8d: {  	s2 =	sadd.s32 s2, s17  }
0x8e: {  	[smem:$0x3FC6] =	sst s2  }
0x8f: {  	_ = 	snop  }
0x90: {  	s2 =	sld [smem:$0x3FC8];
	(tm) =	ssettm $0x1  }
0x91: {  	s18 =	sld [smem:$0x3FFB];
	_ =	sdelay $0x3  }
0x92: {  	_ =	strace s18  }
0x93: {  	s3 =	sld [smem:$0x3FFC];
	_ =	sdelay $0x3  }
0x94: {  	_ =	strace s3  }
0x95: {  	s3 =	sld [smem:$0x3FFD];
	_ =	sdelay $0x3  }
0x96: {  	_ =	strace s3  }
0x97: {  	_ =	strace $0x8FFFFFFF  }
0x98: {  	s19 =	sld [smem:$0x3FDB];
	_ =	sdelay $0x1  }
0x99: {  	s4 =	simm.s32 $_scs_section_size  }
0x9a: {  	s5 =	simm.s32 $_size__tile_overlayer_lowered;
	s6 =	simm.s32 $_tile_overlayer_lowered  }
0x9b: {  	s22 =	simm.s32 $0x1BFF;
	s21 =	sshll.u32 s6, $0x1;
	s3 =	sadd.s32 s4, s19  }
0x9c: {  	s7 =	simm.s32 $0x0;
	s20 =	sshll.u32 s5, $0x1;
	s5 =	sadd.s32 s21, s3  }
0x9d: {  	[timem:s7], [sflag:s22] =	dma.local [hbm:s5], s20  }
0x9e: {  	_ =	swait.ge [sflag:s22], s20  }
0x9f: {  	s4 =	ssub.s32 $0x0, s20;
	[sflag:s22] =	ssyncset.done $0x0  }
0xa0: {  	[sflag:s22] =	ssyncadd.s32 s4;
	_ =	sdelay $0x1  }
0xa1: {  	s23 =	simm.s32 $0x1B8B  }
0xa2: {  	_ =	swait.ge [sflag:s23], $0x1  }
0xa3: {  	[sflag:s23] =	ssyncset.done $0x0  }
0xa4: {  	s25 =	simm.s32 $0x1B8E;
	s24 =	sld [smem:$0x3FFE];
	[sflag:s23] =	ssyncadd.s32 $0xFFFFFFFF  }
0xa5: {  	s26 =	simm.s32 $execute0_lowered;
	[smem:$0x3FD2] =	sst s25  }
0xa6: {  	s5 =	sshll.u32 s26, $0x1;
	_ =	strace $0x80000046;
	[dreg:$0x1] =	wrdreg $0xFFFFFFFF  }
0xa7: {  	s28 =	simm.s32 $_size_execute0_lowered;
	s3 =	sadd.s32 s3, s5;
	[dreg:$0x0] =	wrdreg $0x0  }
0xa8: {  	s5 =	sshll.u32 s28, $0x1;
	[dreg:$0x2] =	wrdreg s3  }
0xa9: {  	[dreg:$0x3] =	wrdreg s5  }
0xaa: {  	[dreg:$0x4] =	wrdreg $0xC0  }
0xab: {  	_ =	task [dreg:s7], $0x5FFFF  }
0xac: {  	[dreg:$0x1] =	wrdreg $0xFFFFFFFF  }
0xad: {  	[dreg:$0x0] =	wrdreg $0x60  }
0xae: {  	[dreg:$0x2] =	wrdreg s24  }
0xaf: {  	[dreg:$0x3] =	wrdreg s2  }
0xb0: {  	[dreg:$0x4] =	wrdreg $0x9  }
0xb1: {  	_ =	task.clear_ibuf [dreg:s7], $0x5FFFF;
	_ =	strace $0x90000046  }
0xb2: {  	s29 =	simm.s32 $0x9;
	_ =	strace $0x80000048  }
0xb3: {  	_ =	swait.ge [sflag:s29], $0x1  }
0xb4: {  	[sflag:s29] =	ssyncadd.s32 $0xFFFFFFFF  }
0xb5: {  	_ =	strace $0x90000048  }
0xb6: {  	_ =	sfence  }
0xb7: {  	s30 =	sld [smem:$0x0];
	_ =	sdelay $0x2  }
0xb8: {  	s31 =	sshll.u32 s1, $0xD;
	s1 =	sshrl.u32 s1, $0x2  }
0xb9: {  	s3 =	sand.u32 $0x4000, s31;
	s1 =	sadd.s32 s1, s30  }
0xba: {  	s0 =	sor.u32 s3, s0;
	s1 =	sshll.u32 s1, $0x11  }
0xbb: {  	s0 =	sor.u32 s1, s0  }
0xbc: {  	s0 =	sadd.s32 $0x8F2B, s0  }
0xbd: {  	[sflag:s0] =	ssyncadd.remote.s32 $0x1  }
0xbe: {  	_ =	sfence.sel $0xFFFF  }
0xbf: {  	[dreg:$0x0] =	wrdreg $0xFFFFFFFF;
	(pc) =	sbr.abs _section_cstart, $3  }
0xc0: {  	[dreg:$0x1] =	wrdreg $0xFFFFFFFF  }
0xc1: {  	_ =	task.clear_ibuf [dreg:s7], $0x2FFFF;
	_ =	strace $0x9FFFFFFF  }
0xc2: {  	(tm) =	ssettm $0x7FFFFFFF  }
0xc3: {  	_ =	shalt  }
tec
execute0_lowered:
.L_overlay_start_1:
0x0: {  	(tag) =	ssettag $0x1  }
0x1: {  	s4 =	rddreg [dreg:$0x0]  }
0x2: {  	s2 =	rddreg [dreg:$0x1]  }
0x3: {  	s0 =	rddreg [dreg:$0x2];
	s5 =	srdreg.scid  }
0x4: {  	s3 =	simm.s32 $0x0;
	s1 =	stileid.u32;
	s8 =	simm.s32 $0x8000  }
0x5: {  	s9 =	simm.s32 $0x2000;
	s10 =	simm.s32 $0x2;
	s11 =	simm.s32 $0x1  }
0x6: {  	s12 =	simm.s32 $0x4000;
	s13 =	simm.s32 $0x3;
	s14 =	simm.s32 $0x4  }
0x7: {  	s16 =	simm.s32 $0x6000;
	s17 =	simm.s32 $0x5;
	s5 =	sand.u32 $0x1, s5  }
0x8: {  	s6 =	sshll.u32 s1, $0xC;
	s7 =	sshll.u32 s5, $0xB;
	s5 =	ssub.s32 $0x2, s5  }
0x9: {  	s18 =	simm.s32 $0x0;
	s6 =	sor.u32 s7, s6;
	s31 =	sshrl.u32 s5, $0x1  }
0xa: {  	[smem:$0x7FF] =	sst s3;
	s6 =	sadd.s32 s6, s4;
	s7 =	ssub.s32 s5, s31  }
0xb: {  	s4 =	sadd.s32 $0x400, s6;
	s5 =	sadd.s32 $0x800, s6;
	s6 =	sadd.s32 $0x10400, s6  }
0xc: {  	_ =	strace $0x80000047;
	s7 =	smax.u32 s7, $0x1;
	s15 =	sadd.s32 $0x400, s6  }
.LBB2_1:
0xd: {  	[tilespmem:s8], [sflag:$0x1] =	stream.linear.gather [hbm4b:s2+s3], $0x480, $0x38;
	[tilespmem:$0x8480] =	vst v63  }
0xe: {  	_ = 	snop  }
0xf: {  	[tilespmem:s3], [sflag:$0x2] =	stream.linear.gather [hbm4b:s4+s3], $0x2000, $0x38;
	[tilespmem:$0x8480] =	vst v63  }
0x10: {  	_ = 	snop  }
0x11: {  	[tilespmem:s9], [sflag:$0x3] =	stream.linear.gather [hbm4b:s5+s3], $0x2000, $0x38;
	[tilespmem:$0x8480] =	vst v63  }
0x12: {  	_ =	swait.ge [sflag:s10], $0x2000  }
0x13: {  	[sflag:s10] =	ssyncset.done $0x0  }
0x14: {  	[sflag:s10] =	ssyncadd.s32 $0xFFFFE000  }
0x15: {  	_ =	swait.ge [sflag:s11], $0x480  }
0x16: {  	[sflag:s11] =	ssyncset.done $0x0  }
0x17: {  	s26 =	simm.s32 $0xA2;
	[sflag:s11] =	ssyncadd.s32 $0xFFFFFB80  }
0x18: {  	v0 =	vld [tilespmem:s26+$0xFFFFFFDE];
	_ =	sdelay $0x4  }
0x19: {  	v1 =	vcvt.s32.f32 v0;
	_ =	sdelay $0x1  }
0x1a: {  	v1 =	vmul.f32 $9.999999770e-03, v1;
	_ =	sdelay $0x1  }
0x1b: {  	v1 =	vtrunc.f32 v1  }
0x1c: {  	v1 =	vcvt.f32.s32 v1;
	_ =	sdelay $0x1  }
0x1d: {  	v1 =	vmul.u32 $0xFFFFFF9C, v1;
	_ =	sdelay $0x1  }
0x1e: {  	v1 =	vadd.s32 v1, v0  }
0x1f: {  	v2 =	vld [tilespmem:s26+$0xFFFFFF5E];
	vm0 =	vlt.s32 v0, $0x3E9;
	v1 =	vadd.s32 $0x3E9, v1  }
0x20: {  	s28 =	simm.s32 $0x1A2;
	v0 =	vsel vm0, v0, v1  }
0x21: {  	v1 =	vld [tilespmem:s28+$0xFFFFFFDE];
	_ =	sdelay $0x2  }
0x22: {  	v3 =	vcvt.s32.f32 v2  }
0x23: {  	v0 =	vld.idx.msk [tilespmem:v0+s8+$0x0], $0xffff  }
0x24: {  	v3 =	vmul.f32 $9.999999770e-03, v3;
	v4 =	vcvt.s32.f32 v1;
	_ =	sdelay $0x1  }
0x25: {  	v3 =	vtrunc.f32 v3;
	v4 =	vmul.f32 $9.999999770e-03, v4  }
0x26: {  	s19 =	simm.s32 $0x40A2;
	v3 =	vcvt.f32.s32 v3  }
0x27: {  	v4 =	vtrunc.f32 v4;
	[tilespmem:s19+$0xFFFFFFDE] =	vst v0  }
0x28: {  	v0 =	vmul.u32 $0xFFFFFF9C, v3;
	v4 =	vcvt.f32.s32 v4;
	v3 =	vld [tilespmem:s26+$0xFFFFFFEE];
	_ =	sdelay $0x1  }
0x29: {  	v0 =	vadd.s32 v0, v2;
	v4 =	vmul.u32 $0xFFFFFF9C, v4  }
0x2a: {  	vm0 =	vlt.s32 v2, $0x3E9;
	v0 =	vadd.s32 $0x3E9, v0  }
0x2b: {  	v0 =	vsel vm0, v2, v0;
	v4 =	vadd.s32 v4, v1  }
0x2c: {  	v2 =	vld [tilespmem:s28+$0xFFFFFF5E];
	vm0 =	vlt.s32 v1, $0x3E9;
	v4 =	vadd.s32 $0x3E9, v4;
	v5 =	vcvt.s32.f32 v3  }
0x2d: {  	v1 =	vsel vm0, v1, v4  }
0x2e: {  	v5 =	vmul.f32 $9.999999770e-03, v5;
	_ =	sdelay $0x1  }
0x2f: {  	v0 =	vld.idx.msk [tilespmem:v0+s8+$0x0], $0xffff;
	v4 =	vtrunc.f32 v5  }
0x30: {  	v5 =	vcvt.s32.f32 v2;
	v4 =	vcvt.f32.s32 v4  }
0x31: {  	s22 =	simm.s32 $0x2A2;
	v1 =	vld.idx.msk [tilespmem:v1+s8+$0x0], $0xffff  }
0x32: {  	v6 =	vld [tilespmem:s22+$0xFFFFFFDE];
	v5 =	vmul.f32 $9.999999770e-03, v5;
	v4 =	vmul.u32 $0xFFFFFF9C, v4;
	_ =	sdelay $0x1  }
0x33: {  	[tilespmem:s19+$0xFFFFFF5E] =	vst v0;
	v0 =	vtrunc.f32 v5;
	v4 =	vadd.s32 v4, v3  }
0x34: {  	s20 =	simm.s32 $0x41A2;
	vm0 =	vlt.s32 v3, $0x3E9;
	v5 =	vld [tilespmem:s26+$0xFFFFFF6E];
	v0 =	vcvt.f32.s32 v0;
	v4 =	vadd.s32 $0x3E9, v4  }
0x35: {  	[tilespmem:s20+$0xFFFFFFDE] =	vst v1;
	v3 =	vsel vm0, v3, v4  }
0x36: {  	v0 =	vmul.u32 $0xFFFFFF9C, v0;
	v1 =	vld [tilespmem:s28+$0xFFFFFFEE];
	v4 =	vcvt.s32.f32 v6;
	_ =	sdelay $0x1  }
0x37: {  	v0 =	vadd.s32 v0, v2;
	v4 =	vmul.f32 $9.999999770e-03, v4  }
0x38: {  	vm0 =	vlt.s32 v2, $0x3E9;
	v0 =	vadd.s32 $0x3E9, v0;
	v7 =	vcvt.s32.f32 v5  }
0x39: {  	v0 =	vsel vm0, v2, v0;
	v4 =	vtrunc.f32 v4;
	v2 =	vld.idx.msk [tilespmem:v3+s8+$0x0], $0xffff  }
0x3a: {  	v3 =	vmul.f32 $9.999999770e-03, v7;
	v7 =	vcvt.s32.f32 v1  }
0x3b: {  	v4 =	vcvt.f32.s32 v4  }
0x3c: {  	v3 =	vtrunc.f32 v3;
	v7 =	vmul.f32 $9.999999770e-03, v7  }
0x3d: {  	v8 =	vld [tilespmem:s22+$0xFFFFFF5E];
	v4 =	vmul.u32 $0xFFFFFF9C, v4;
	v3 =	vcvt.f32.s32 v3  }
0x3e: {  	v0 =	vld.idx.msk [tilespmem:v0+s8+$0x0], $0xffff;
	v7 =	vtrunc.f32 v7;
	[tilespmem:s19+$0xFFFFFFEE] =	vst v2  }
0x3f: {  	v4 =	vadd.s32 v4, v6;
	v2 =	vmul.u32 $0xFFFFFF9C, v3;
	v7 =	vcvt.f32.s32 v7;
	v3 =	vld [tilespmem:s26+$0xFFFFFFFE]  }
0x40: {  	vm0 =	vlt.s32 v6, $0x3E9;
	v4 =	vadd.s32 $0x3E9, v4  }
0x41: {  	v4 =	vsel vm0, v6, v4;
	v2 =	vadd.s32 v2, v5;
	v6 =	vmul.u32 $0xFFFFFF9C, v7  }
0x42: {  	vm0 =	vlt.s32 v5, $0x3E9;
	v2 =	vadd.s32 $0x3E9, v2  }
0x43: {  	v7 =	vcvt.s32.f32 v8;
	[tilespmem:s20+$0xFFFFFF5E] =	vst v0;
	v0 =	vsel vm0, v5, v2;
	v5 =	vadd.s32 v6, v1  }
0x44: {  	vm0 =	vlt.s32 v1, $0x3E9;
	v5 =	vadd.s32 $0x3E9, v5;
	v2 =	vcvt.s32.f32 v3  }
0x45: {  	v6 =	vmul.f32 $9.999999770e-03, v7;
	v7 =	vld [tilespmem:s28+$0xFFFFFF6E];
	v1 =	vsel vm0, v1, v5  }
0x46: {  	s23 =	simm.s32 $0x3A2;
	v4 =	vld.idx.msk [tilespmem:v4+s8+$0x0], $0xffff;
	v2 =	vmul.f32 $9.999999770e-03, v2  }
0x47: {  	v5 =	vtrunc.f32 v6;
	v6 =	vld [tilespmem:s23+$0xFFFFFFDE]  }
0x48: {  	v5 =	vcvt.f32.s32 v5;
	v2 =	vtrunc.f32 v2  }
0x49: {  	v0 =	vld.idx.msk [tilespmem:v0+s8+$0x0], $0xffff;
	v2 =	vcvt.f32.s32 v2  }
0x4a: {  	s21 =	simm.s32 $0x42A2;
	v5 =	vmul.u32 $0xFFFFFF9C, v5;
	v1 =	vld.idx.msk [tilespmem:v1+s8+$0x0], $0xffff  }
0x4b: {  	v9 =	vcvt.s32.f32 v7;
	[tilespmem:s21+$0xFFFFFFDE] =	vst v4;
	v2 =	vmul.u32 $0xFFFFFF9C, v2  }
0x4c: {  	vm0 =	vlt.s32 v8, $0x3E9;
	v4 =	vadd.s32 v5, v8;
	v10 =	vcvt.s32.f32 v6;
	v5 =	vld [tilespmem:s22+$0xFFFFFFEE]  }
0x4d: {  	v9 =	vmul.f32 $9.999999770e-03, v9;
	v4 =	vadd.s32 $0x3E9, v4;
	v2 =	vadd.s32 v2, v3  }
0x4e: {  	vm1 =	vlt.s32 v3, $0x3E9;
	v4 =	vsel vm0, v8, v4;
	[tilespmem:s19+$0xFFFFFF6E] =	vst v0;
	v0 =	vadd.s32 $0x3E9, v2  }
0x4f: {  	v2 =	vld [tilespmem:s26+$0xFFFFFF7E];
	[tilespmem:s20+$0xFFFFFFEE] =	vst v1;
	v0 =	vsel vm1, v3, v0;
	v3 =	vtrunc.f32 v9;
	v9 =	vmul.f32 $9.999999770e-03, v10  }
0x50: {  	v1 =	vld [tilespmem:s28+$0xFFFFFFFE];
	v3 =	vcvt.f32.s32 v3  }
0x51: {  	v10 =	vcvt.s32.f32 v5;
	v9 =	vtrunc.f32 v9  }
0x52: {  	v8 =	vld [tilespmem:s23+$0xFFFFFF5E];
	v3 =	vmul.u32 $0xFFFFFF9C, v3;
	v9 =	vcvt.f32.s32 v9  }
0x53: {  	vm0 =	vlt.s32 v7, $0x3E9;
	v4 =	vld.idx.msk [tilespmem:v4+s8+$0x0], $0xffff;
	v10 =	vmul.f32 $9.999999770e-03, v10  }
0x54: {  	v11 =	vcvt.s32.f32 v2;
	v0 =	vld.idx.msk [tilespmem:v0+s8+$0x0], $0xffff;
	v3 =	vadd.s32 v3, v7;
	v9 =	vmul.u32 $0xFFFFFF9C, v9  }
0x55: {  	v10 =	vtrunc.f32 v10;
	v13 =	vcvt.s32.f32 v1;
	v3 =	vadd.s32 $0x3E9, v3  }
0x56: {  	v10 =	vcvt.f32.s32 v10;
	v9 =	vadd.s32 v9, v6;
	v3 =	vsel vm0, v7, v3  }
0x57: {  	vm0 =	vlt.s32 v6, $0x3E9;
	v7 =	vadd.s32 $0x3E9, v9;
	v9 =	vmul.f32 $9.999999770e-03, v13  }
0x58: {  	v12 =	vcvt.s32.f32 v8;
	[tilespmem:s21+$0xFFFFFF5E] =	vst v4;
	v6 =	vsel vm0, v6, v7;
	v7 =	vmul.u32 $0xFFFFFF9C, v10  }
0x59: {  	v10 =	vmul.f32 $9.999999770e-03, v11;
	v11 =	vld [tilespmem:s22+$0xFFFFFF6E];
	[tilespmem:s19+$0xFFFFFFFE] =	vst v0;
	v9 =	vtrunc.f32 v9  }
0x5a: {  	v0 =	vmul.f32 $9.999999770e-03, v12;
	v4 =	vld [tilespmem:s26+$0x0];
	v7 =	vadd.s32 v7, v5;
	v9 =	vcvt.f32.s32 v9  }
0x5b: {  	vm0 =	vlt.s32 v5, $0x3E9;
	v7 =	vadd.s32 $0x3E9, v7  }
0x5c: {  	v0 =	vtrunc.f32 v0;
	v3 =	vld.idx.msk [tilespmem:v3+s8+$0x0], $0xffff;
	v5 =	vsel vm0, v5, v7;
	v9 =	vmul.u32 $0xFFFFFF9C, v9  }
0x5d: {  	vm1 =	vlt.s32 v8, $0x3E9;
	vm2 =	vlt.s32 v1, $0x3E9;
	v0 =	vcvt.f32.s32 v0;
	v6 =	vld.idx.msk [tilespmem:v6+s8+$0x0], $0xffff  }
0x5e: {  	s25 =	simm.s32 $0x4A2;
	v7 =	vtrunc.f32 v10;
	v13 =	vcvt.s32.f32 v11;
	v9 =	vadd.s32 v9, v1  }
0x5f: {  	v10 =	vld [tilespmem:s25+$0xFFFFFFDE];
	v0 =	vmul.u32 $0xFFFFFF9C, v0;
	v12 =	vcvt.s32.f32 v4;
	v9 =	vadd.s32 $0x3E9, v9  }
0x60: {  	v7 =	vcvt.f32.s32 v7;
	v1 =	vsel vm2, v1, v9;
	v9 =	vmul.f32 $9.999999770e-03, v13;
	v13 =	vld [tilespmem:s25+$0xFFFFFF5E]  }
0x61: {  	s24 =	simm.s32 $0x43A2;
	vm0 =	vlt.s32 v2, $0x3E9;
	v0 =	vadd.s32 v0, v8;
	[tilespmem:s20+$0xFFFFFF6E] =	vst v3;
	v12 =	vmul.f32 $9.999999770e-03, v12;
	v3 =	vld.idx.msk [tilespmem:v5+s8+$0x0], $0xffff  }
0x62: {  	vm2 =	vlt.s32 v4, $0x3E9;
	v5 =	vmul.u32 $0xFFFFFF9C, v7;
	v0 =	vadd.s32 $0x3E9, v0;
	v7 =	vld [tilespmem:s28+$0xFFFFFF7E];
	[tilespmem:s24+$0xFFFFFFDE] =	vst v6  }
0x63: {  	v0 =	vsel vm1, v8, v0;
	v9 =	vtrunc.f32 v9;
	v6 =	vtrunc.f32 v12;
	v8 =	vld [tilespmem:s23+$0xFFFFFFEE]  }
0x64: {  	v12 =	vcvt.s32.f32 v10;
	v5 =	vadd.s32 v5, v2;
	v9 =	vcvt.f32.s32 v9  }
0x65: {  	vm1 =	vlt.s32 v11, $0x3E9;
	v6 =	vcvt.f32.s32 v6;
	v5 =	vadd.s32 $0x3E9, v5  }
0x66: {  	v12 =	vmul.f32 $9.999999770e-03, v12;
	v2 =	vsel vm0, v2, v5;
	v5 =	vmul.u32 $0xFFFFFF9C, v9  }
0x67: {  	v1 =	vld.idx.msk [tilespmem:v1+s8+$0x0], $0xffff;
	v15 =	vcvt.s32.f32 v13;
	v6 =	vmul.u32 $0xFFFFFF9C, v6;
	[tilespmem:s21+$0xFFFFFFEE] =	vst v3;
	v3 =	vcvt.s32.f32 v7  }
0x68: {  	v9 =	vld [tilespmem:s22+$0xFFFFFFFE];
	v12 =	vtrunc.f32 v12;
	v5 =	vadd.s32 v5, v11;
	v14 =	vcvt.s32.f32 v8  }
0x69: {  	v0 =	vld.idx.msk [tilespmem:v0+s8+$0x0], $0xffff;
	v15 =	vmul.f32 $9.999999770e-03, v15;
	v6 =	vadd.s32 v6, v4;
	v12 =	vcvt.f32.s32 v12  }
0x6a: {  	v5 =	vadd.s32 $0x3E9, v5;
	v3 =	vmul.f32 $9.999999770e-03, v3;
	v14 =	vmul.f32 $9.999999770e-03, v14  }
0x6b: {  	v6 =	vadd.s32 $0x3E9, v6;
	v5 =	vsel vm1, v11, v5;
	v12 =	vmul.u32 $0xFFFFFF9C, v12  }
0x6c: {  	vm1 =	vlt.s32 v10, $0x3E9;
	[tilespmem:s20+$0xFFFFFFFE] =	vst v1;
	v2 =	vld.idx.msk [tilespmem:v2+s8+$0x0], $0xffff;
	v3 =	vtrunc.f32 v3;
	v1 =	vtrunc.f32 v14  }
0x6d: {  	v3 =	vcvt.f32.s32 v3;
	v12 =	vadd.s32 v12, v10;
	v14 =	vld [tilespmem:s28+$0x0];
	v1 =	vcvt.f32.s32 v1  }
0x6e: {  	v4 =	vsel vm2, v4, v6;
	v11 =	vcvt.s32.f32 v9;
	[tilespmem:s24+$0xFFFFFF5E] =	vst v0;
	v12 =	vadd.s32 $0x3E9, v12  }
0x6f: {  	v6 =	vld [tilespmem:s23+$0xFFFFFF6E];
	v3 =	vmul.u32 $0xFFFFFF9C, v3;
	v10 =	vsel vm1, v10, v12;
	v1 =	vmul.u32 $0xFFFFFF9C, v1  }
0x70: {  	v0 =	vmul.f32 $9.999999770e-03, v11;
	v11 =	vtrunc.f32 v15;
	v5 =	vld.idx.msk [tilespmem:v5+s8+$0x0], $0xffff;
	vm1 =	vlt.s32 v8, $0x3E9  }
0x71: {  	v11 =	vcvt.f32.s32 v11;
	v3 =	vadd.s32 v3, v7;
	v1 =	vadd.s32 v1, v8  }
0x72: {  	[tilespmem:s19+$0xFFFFFF7E] =	vst v2;
	v0 =	vtrunc.f32 v0;
	v12 =	vcvt.s32.f32 v14;
	v1 =	vadd.s32 $0x3E9, v1  }
0x73: {  	v11 =	vmul.u32 $0xFFFFFF9C, v11;
	v15 =	vcvt.f32.s32 v0;
	v0 =	vld [tilespmem:s26+$0xFFFFFF80];
	v1 =	vsel vm1, v8, v1  }
0x74: {  	vm0 =	vlt.s32 v7, $0x3E9;
	v3 =	vadd.s32 $0x3E9, v3;
	s26 =	simm.s32 $0x5A2;
	v8 =	vld.idx.msk [tilespmem:v10+s8+$0x0], $0xffff;
	v2 =	vmul.f32 $9.999999770e-03, v12  }
0x75: {  	v10 =	vadd.s32 v11, v13;
	v11 =	vmul.u32 $0xFFFFFF9C, v15;
	[tilespmem:s21+$0xFFFFFF6E] =	vst v5;
	v5 =	vcvt.s32.f32 v6;
	v15 =	vld [tilespmem:s26+$0xFFFFFFDE]  }
0x76: {  	vm2 =	vlt.s32 v13, $0x3E9;
	vm3 =	vlt.s32 v9, $0x3E9;
	v7 =	vsel vm0, v7, v3  }
0x77: {  	v12 =	vtrunc.f32 v2;
	v2 =	vld [tilespmem:s22+$0xFFFFFF7E];
	v11 =	vadd.s32 v11, v9;
	v5 =	vmul.f32 $9.999999770e-03, v5  }
0x78: {  	s29 =	simm.s32 $0x44A2;
	v10 =	vadd.s32 $0x3E9, v10;
	v12 =	vcvt.f32.s32 v12;
	v11 =	vadd.s32 $0x3E9, v11;
	v1 =	vld.idx.msk [tilespmem:v1+s8+$0x0], $0xffff  }
0x79: {  	v9 =	vsel vm3, v9, v11;
	v5 =	vtrunc.f32 v5;
	[tilespmem:s29+$0xFFFFFFDE] =	vst v8;
	v8 =	vsel vm2, v13, v10;
	v13 =	vld [tilespmem:s26+$0xFFFFFF5E]  }
0x7a: {  	v11 =	vmul.u32 $0xFFFFFF9C, v12;
	v3 =	vcvt.f32.s32 v5;
	v5 =	vcvt.s32.f32 v15;
	v10 =	vld [tilespmem:s25+$0xFFFFFFEE]  }
0x7b: {  	vm1 =	vlt.s32 v6, $0x3E9;
	v12 =	vcvt.s32.f32 v0  }
0x7c: {  	vm2 =	vlt.s32 v14, $0x3E9;
	v11 =	vadd.s32 v11, v14;
	v17 =	vmul.f32 $9.999999770e-03, v5  }
0x7d: {  	v16 =	vcvt.s32.f32 v2;
	v3 =	vmul.u32 $0xFFFFFF9C, v3;
	vm0 =	vlt.s32 v2, $0x3E9  }
0x7e: {  	v12 =	vmul.f32 $9.999999770e-03, v12;
	v11 =	vadd.s32 $0x3E9, v11;
	v9 =	vld.idx.msk [tilespmem:v9+s8+$0x0], $0xffff;
	v17 =	vtrunc.f32 v17  }
0x7f: {  	v11 =	vsel vm2, v14, v11;
	[tilespmem:s24+$0xFFFFFFEE] =	vst v1;
	v14 =	vcvt.s32.f32 v13;
	v8 =	vld.idx.msk [tilespmem:v8+s8+$0x0], $0xffff;
	v1 =	vcvt.s32.f32 v10  }
0x80: {  	v16 =	vmul.f32 $9.999999770e-03, v16;
	v3 =	vadd.s32 v3, v6;
	v17 =	vcvt.f32.s32 v17;
	v5 =	vld [tilespmem:s23+$0xFFFFFFFE]  }
0x81: {  	v3 =	vadd.s32 $0x3E9, v3;
	v14 =	vmul.f32 $9.999999770e-03, v14;
	v1 =	vmul.f32 $9.999999770e-03, v1  }
0x82: {  	vm3 =	vlt.s32 v13, $0x3E9;
	v18 =	vsel vm1, v6, v3;
	v17 =	vmul.u32 $0xFFFFFF9C, v17  }
0x83: {  	vm1 =	vlt.s32 v15, $0x3E9;
	[tilespmem:s21+$0xFFFFFFFE] =	vst v9;
	v6 =	vtrunc.f32 v14;
	v1 =	vtrunc.f32 v1  }
0x84: {  	v7 =	vld.idx.msk [tilespmem:v7+s8+$0x0], $0xffff;
	v14 =	vadd.s32 v17, v15;
	[tilespmem:s29+$0xFFFFFF5E] =	vst v8;
	v8 =	vtrunc.f32 v12;
	v1 =	vcvt.f32.s32 v1  }
0x85: {  	v3 =	vld [tilespmem:s22+$0x0];
	v14 =	vadd.s32 $0x3E9, v14;
	v12 =	vcvt.f32.s32 v6;
	v9 =	vcvt.s32.f32 v5  }
0x86: {  	v16 =	vtrunc.f32 v16;
	v14 =	vsel vm1, v15, v14;
	v6 =	vld [tilespmem:s25+$0xFFFFFF6E];
	v1 =	vmul.u32 $0xFFFFFF9C, v1  }
0x87: {  	v61 =	vld.idx.msk [tilespmem:v4+s8+$0x0], $0xffff;
	v15 =	vcvt.f32.s32 v16;
	v12 =	vmul.u32 $0xFFFFFF9C, v12;
	v9 =	vmul.f32 $9.999999770e-03, v9  }
0x88: {  	v63 =	vld.idx.msk [tilespmem:v11+s8+$0x0], $0xffff;
	vm1 =	vlt.s32 v10, $0x3E9;
	v4 =	vcvt.f32.s32 v8;
	v1 =	vadd.s32 v1, v10  }
0x89: {  	v62 =	vld.idx.msk [tilespmem:v18+s8+$0x0], $0xffff;
	v11 =	vadd.s32 v12, v13;
	v9 =	vtrunc.f32 v9;
	v1 =	vadd.s32 $0x3E9, v1  }
0x8a: {  	v8 =	vcvt.f32.s32 v9;
	v10 =	vsel vm1, v10, v1;
	v1 =	vcvt.s32.f32 v3  }
0x8b: {  	[tilespmem:s20+$0xFFFFFF7E] =	vst v7;
	v7 =	vadd.s32 $0x3E9, v11;
	v9 =	vmul.u32 $0xFFFFFF9C, v15;
	vm2 =	vlt.s32 v6, $0x3E9  }
0x8c: {  	v11 =	vsel vm3, v13, v7;
	v8 =	vmul.u32 $0xFFFFFF9C, v8;
	v12 =	vmul.f32 $9.999999770e-03, v1  }
0x8d: {  	[tilespmem:s19+$0x0] =	vst v61;
	v13 =	vcvt.s32.f32 v6;
	vm3 =	vlt.s32 v5, $0x3E9;
	vm1 =	vlt.s32 v0, $0x3E9;
	v1 =	vld [tilespmem:s28+$0xFFFFFF80]  }
0x8e: {  	s30 =	simm.s32 $0xA;
	[tilespmem:s24+$0xFFFFFF6E] =	vst v62;
	v9 =	vadd.s32 v9, v2;
	v15 =	vadd.s32 v8, v5;
	v7 =	vtrunc.f32 v12;
	v12 =	vld.idx.msk [tilespmem:v14+s8+$0x0], $0xffff  }
0x8f: {  	s31 =	simm.s32 $0x6A2;
	[tilespmem:s20+$0x0] =	vst v63;
	s28 =	simm.s32 $0x44A2;
	v14 =	vmul.f32 $9.999999770e-03, v13;
	v13 =	vadd.s32 $0x3E9, v15;
	v8 =	vcvt.f32.s32 v7;
	v7 =	vld [tilespmem:s23+$0xFFFFFF7E]  }
.LBB2_2:
0x90: {  	v5 =	vsel vm3, v5, v13  }
0x91: {  	v15 =	vld [tilespmem:s31+$0xFFFFFFDE];
	s30 =	sadd.s32 $0x2, s30;
	v9 =	vadd.s32 $0x3E9, v9;
	v8 =	vmul.u32 $0xFFFFFF9C, v8;
	vm4 =	vmmov vm1  }
0x92: {  	p0 =	slt.u32 s30, $0x3E;
	v13 =	vtrunc.f32 v14;
	v10 =	vld.idx.msk [tilespmem:v10+s8+$0x0], $0xffff;
	v9 =	vsel vm0, v2, v9;
	v14 =	vcvt.s32.f32 v1  }
0x93: {  	s29 =	sadd.s32 $0x100, s29;
	v4 =	vmul.u32 $0xFFFFFF9C, v4;
	v16 =	vld [tilespmem:s31+$0xFFFFFF5E];
	v13 =	vcvt.f32.s32 v13;
	v17 =	vadd.s32 v8, v3  }
0x94: {  	vm1 =	vlt.s32 v3, $0x3E9;
	v8 =	vld.idx.msk [tilespmem:v11+s8+$0x0], $0xffff;
	[tilespmem:s29+$0xFFFFFFDE] =	vst v12;
	v11 =	vcvt.s32.f32 v7;
	v12 =	vadd.s32 $0x3E9, v17;
	v2 =	vmovc v7  }
0x95: {  	v7 =	vld [tilespmem:s26+$0xFFFFFFEE];
	v13 =	vmul.u32 $0xFFFFFF9C, v13;
	vm0 =	vlt.s32 v2, $0x3E9;
	v3 =	vsel vm1, v3, v12  }
0x96: {  	v4 =	vadd.s32 v4, v0;
	v12 =	vcvt.s32.f32 v15;
	v11 =	vmul.f32 $9.999999770e-03, v11;
	v17 =	vld.idx.msk [tilespmem:v5+s8+$0x0], $0xffff  }
0x97: {  	v4 =	vadd.s32 $0x3E9, v4;
	v5 =	vadd.s32 v13, v6;
	v9 =	vld.idx.msk [tilespmem:v9+s8+$0x0], $0xffff;
	v13 =	vmul.f32 $9.999999770e-03, v14  }
0x98: {  	v14 =	vcvt.s32.f32 v16;
	vm3 =	vlt.s32 v16, $0x3E9;
	v12 =	vmul.f32 $9.999999770e-03, v12;
	[tilespmem:s28+$0xFFFFFFEE] =	vst v10  }
0x99: {  	v10 =	vadd.s32 $0x3E9, v5;
	v11 =	vtrunc.f32 v11;
	v5 =	vld [tilespmem:s25+$0xFFFFFFFE];
	v13 =	vtrunc.f32 v13  }
0x9a: {  	v10 =	vsel vm2, v6, v10;
	v12 =	vtrunc.f32 v12;
	[tilespmem:s29+$0xFFFFFF5E] =	vst v8;
	v8 =	vcvt.s32.f32 v7;
	v18 =	vld.idx.msk [tilespmem:v3+s8+$0x0], $0xffff  }
0x9b: {  	vm1 =	vlt.s32 v1, $0x3E9;
	v3 =	vmul.f32 $9.999999770e-03, v14;
	v12 =	vcvt.f32.s32 v12;
	v6 =	vld [tilespmem:s26+$0xFFFFFF6E]  }
0x9c: {  	v11 =	vcvt.f32.s32 v11;
	v14 =	vsel vm4, v0, v4;
	v0 =	vmovc v1;
	v8 =	vmul.f32 $9.999999770e-03, v8;
	[tilespmem:s24+$0xFFFFFFFE] =	vst v17  }
0x9d: {  	v4 =	vcvt.f32.s32 v13;
	v17 =	vtrunc.f32 v3;
	v12 =	vmul.u32 $0xFFFFFF9C, v12;
	v3 =	vld [tilespmem:s23+$0x0];
	[tilespmem:s21+$0xFFFFFF7E] =	vst v9  }
0x9e: {  	v13 =	vmul.u32 $0xFFFFFF9C, v11;
	v8 =	vtrunc.f32 v8;
	v9 =	vcvt.s32.f32 v5;
	v1 =	vld [tilespmem:s22+$0xFFFFFF80];
	s22 =	smov.u32 s23;
	s23 =	smov.u32 s25;
	s25 =	smov.u32 s26  }
0x9f: {  	v11 =	vcvt.f32.s32 v17;
	s26 =	smov.u32 s31;
	v12 =	vadd.s32 v12, v15;
	v8 =	vcvt.f32.s32 v8;
	v17 =	vld.idx.msk [tilespmem:v10+s8+$0x0], $0xffff  }
0xa0: {  	vm2 =	vlt.s32 v15, $0x3E9;
	v10 =	vadd.s32 $0x3E9, v12;
	v9 =	vmul.f32 $9.999999770e-03, v9;
	[tilespmem:s21+$0x0] =	vst v18  }
0xa1: {  	v11 =	vmul.u32 $0xFFFFFF9C, v11;
	v12 =	vsel vm2, v15, v10;
	v8 =	vmul.u32 $0xFFFFFF9C, v8;
	v14 =	vld.idx.msk [tilespmem:v14+s8+$0x0], $0xffff  }
0xa2: {  	vm2 =	vlt.s32 v6, $0x3E9;
	v9 =	vtrunc.f32 v9;
	v10 =	vcvt.s32.f32 v3  }
0xa3: {  	v11 =	vadd.s32 v11, v16;
	v8 =	vadd.s32 v8, v7;
	v9 =	vcvt.f32.s32 v9  }
.Ltmp0:
0xa4: {  	vm4 =	vlt.s32 v7, $0x3E9;
	v8 =	vadd.s32 $0x3E9, v8;
	v15 =	vmul.f32 $9.999999770e-03, v10;
	(pc) =	sbr.rel @p0 .LBB2_2-.Ltmp0, $4  }
0xa5: {  	v11 =	vadd.s32 $0x3E9, v11;
	v10 =	vsel vm4, v7, v8;
	[tilespmem:s28+$0xFFFFFF6E] =	vst v17;
	v8 =	vmul.u32 $0xFFFFFF9C, v9  }
0xa6: {  	v11 =	vsel vm3, v16, v11;
	v16 =	vcvt.s32.f32 v6;
	v12 =	vld.idx.msk [tilespmem:v12+s8+$0x0], $0xffff;
	v15 =	vtrunc.f32 v15  }
0xa7: {  	v9 =	vadd.s32 v13, v2;
	v7 =	vld [tilespmem:s23+$0xFFFFFF7E];
	v17 =	vadd.s32 v8, v5;
	v8 =	vcvt.f32.s32 v15;
	[tilespmem:s19+$0xFFFFFF80] =	vst v14;
	s19 =	smov.u32 s20;
	s20 =	smov.u32 s21;
	s21 =	smov.u32 s24  }
0xa8: {  	s31 =	sadd.s32 $0x100, s31;
	vm3 =	vlt.s32 v5, $0x3E9;
	v14 =	vmul.f32 $9.999999770e-03, v16;
	s24 =	smov.u32 s28;
	s28 =	smov.u32 s29;
	v13 =	vadd.s32 $0x3E9, v17  }
0xa9: {  	_ = 	snop  }
0xaa: {  	s29 =	sadd.s32 $0x100, s29  }
0xab: {  	[tilespmem:s29+$0xFFFFFFDE] =	vst v12  }
0xac: {  	v12 =	vld [tilespmem:s26+$0xFFFFFFEE]  }
0xad: {  	v11 =	vld.idx.msk [tilespmem:v11+s8+$0x0], $0xffff;
	_ =	sdelay $0x3  }
0xae: {  	v15 =	vcvt.s32.f32 v12  }
0xaf: {  	[tilespmem:s29+$0xFFFFFF5E] =	vst v11  }
0xb0: {  	v11 =	vld [tilespmem:s26+$0xFFFFFF6E];
	v15 =	vmul.f32 $9.999999770e-03, v15;
	_ =	sdelay $0x1  }
0xb1: {  	v15 =	vtrunc.f32 v15  }
0xb2: {  	v15 =	vcvt.f32.s32 v15;
	_ =	sdelay $0x1  }
0xb3: {  	v16 =	vcvt.s32.f32 v11;
	v15 =	vmul.u32 $0xFFFFFF9C, v15;
	_ =	sdelay $0x1  }
0xb4: {  	v10 =	vld.idx.msk [tilespmem:v10+s8+$0x0], $0xffff;
	v14 =	vtrunc.f32 v14;
	v16 =	vmul.f32 $9.999999770e-03, v16;
	v15 =	vadd.s32 v15, v12  }
0xb5: {  	v14 =	vcvt.f32.s32 v14;
	vm4 =	vlt.s32 v12, $0x3E9;
	v15 =	vadd.s32 $0x3E9, v15  }
0xb6: {  	v12 =	vsel vm4, v12, v15;
	v15 =	vtrunc.f32 v16  }
0xb7: {  	v14 =	vmul.u32 $0xFFFFFF9C, v14;
	v15 =	vcvt.f32.s32 v15;
	_ =	sdelay $0x1  }
0xb8: {  	[tilespmem:s28+$0xFFFFFFEE] =	vst v10;
	v14 =	vadd.s32 v14, v6;
	v10 =	vmul.u32 $0xFFFFFF9C, v15  }
0xb9: {  	v14 =	vadd.s32 $0x3E9, v14;
	v15 =	vld [tilespmem:s25+$0xFFFFFFFE]  }
0xba: {  	v6 =	vsel vm2, v6, v14;
	v12 =	vld.idx.msk [tilespmem:v12+s8+$0x0], $0xffff;
	v10 =	vadd.s32 v10, v11  }
0xbb: {  	vm2 =	vlt.s32 v11, $0x3E9;
	v10 =	vadd.s32 $0x3E9, v10  }
0xbc: {  	v10 =	vsel vm2, v11, v10;
	_ =	sdelay $0x1  }
0xbd: {  	v11 =	vcvt.s32.f32 v15  }
0xbe: {  	v6 =	vld.idx.msk [tilespmem:v6+s8+$0x0], $0xffff;
	[tilespmem:s29+$0xFFFFFFEE] =	vst v12  }
0xbf: {  	v11 =	vmul.f32 $9.999999770e-03, v11;
	v12 =	vld [tilespmem:s26+$0xFFFFFFFE]  }
0xc0: {  	v10 =	vld.idx.msk [tilespmem:v10+s8+$0x0], $0xffff  }
0xc1: {  	v11 =	vtrunc.f32 v11  }
0xc2: {  	v11 =	vcvt.f32.s32 v11  }
0xc3: {  	v5 =	vsel vm3, v5, v13;
	[tilespmem:s28+$0xFFFFFF6E] =	vst v6;
	v6 =	vcvt.s32.f32 v7  }
0xc4: {  	v13 =	vld [tilespmem:s25+$0xFFFFFF7E];
	v11 =	vmul.u32 $0xFFFFFF9C, v11;
	v14 =	vcvt.s32.f32 v12  }
0xc5: {  	v6 =	vmul.f32 $9.999999770e-03, v6;
	[tilespmem:s29+$0xFFFFFF6E] =	vst v10  }
0xc6: {  	v10 =	vadd.s32 v11, v15;
	v11 =	vmul.f32 $9.999999770e-03, v14;
	v14 =	vld [tilespmem:s26+$0xFFFFFF7E]  }
0xc7: {  	v6 =	vtrunc.f32 v6;
	vm2 =	vlt.s32 v15, $0x3E9;
	v10 =	vadd.s32 $0x3E9, v10  }
0xc8: {  	v5 =	vld.idx.msk [tilespmem:v5+s8+$0x0], $0xffff;
	v6 =	vcvt.f32.s32 v6;
	v10 =	vsel vm2, v15, v10;
	v11 =	vtrunc.f32 v11  }
0xc9: {  	v9 =	vadd.s32 $0x3E9, v9;
	v15 =	vcvt.s32.f32 v13;
	v11 =	vcvt.f32.s32 v11  }
0xca: {  	v8 =	vmul.u32 $0xFFFFFF9C, v8;
	v2 =	vsel vm0, v2, v9;
	v6 =	vmul.u32 $0xFFFFFF9C, v6  }
0xcb: {  	v9 =	vmul.f32 $9.999999770e-03, v15;
	v11 =	vmul.u32 $0xFFFFFF9C, v11;
	v15 =	vcvt.s32.f32 v14  }
0xcc: {  	vm0 =	vmmov vm1;
	vm1 =	vlt.s32 v7, $0x3E9;
	v6 =	vadd.s32 v6, v7  }
0xcd: {  	[tilespmem:s24+$0xFFFFFFFE] =	vst v5;
	v6 =	vadd.s32 $0x3E9, v6;
	v5 =	vld.idx.msk [tilespmem:v10+s8+$0x0], $0xffff;
	v10 =	vadd.s32 v11, v12;
	v11 =	vmul.f32 $9.999999770e-03, v15  }
0xce: {  	v4 =	vmul.u32 $0xFFFFFF9C, v4;
	v6 =	vsel vm1, v7, v6;
	v9 =	vtrunc.f32 v9  }
0xcf: {  	v8 =	vadd.s32 v8, v3;
	v9 =	vcvt.f32.s32 v9;
	v15 =	vld [tilespmem:s23+$0x0];
	v11 =	vtrunc.f32 v11  }
0xd0: {  	vm2 =	vlt.s32 v12, $0x3E9;
	v10 =	vadd.s32 $0x3E9, v10;
	v11 =	vcvt.f32.s32 v11  }
0xd1: {  	v9 =	vmul.u32 $0xFFFFFF9C, v9;
	v10 =	vsel vm2, v12, v10;
	v12 =	vcvt.s32.f32 v1  }
0xd2: {  	v8 =	vadd.s32 $0x3E9, v8;
	v2 =	vld.idx.msk [tilespmem:v2+s8+$0x0], $0xffff;
	vm1 =	vlt.s32 v13, $0x3E9;
	v7 =	vmul.u32 $0xFFFFFF9C, v11  }
0xd3: {  	v6 =	vld.idx.msk [tilespmem:v6+s8+$0x0], $0xffff;
	vm2 =	vlt.s32 v3, $0x3E9;
	[tilespmem:s28+$0xFFFFFFFE] =	vst v5;
	v5 =	vadd.s32 v9, v13;
	v12 =	vmul.f32 $9.999999770e-03, v12  }
0xd4: {  	v9 =	vcvt.s32.f32 v15;
	v11 =	vld [tilespmem:s25+$0x0];
	v5 =	vadd.s32 $0x3E9, v5;
	v7 =	vadd.s32 v7, v14  }
0xd5: {  	v5 =	vsel vm1, v13, v5;
	vm1 =	vlt.s32 v14, $0x3E9;
	v7 =	vadd.s32 $0x3E9, v7  }
0xd6: {  	v3 =	vsel vm2, v3, v8;
	v8 =	vtrunc.f32 v12;
	v10 =	vld.idx.msk [tilespmem:v10+s8+$0x0], $0xffff;
	v7 =	vsel vm1, v14, v7  }
0xd7: {  	v4 =	vadd.s32 v4, v0;
	[tilespmem:s21+$0xFFFFFF7E] =	vst v2;
	v2 =	vmul.f32 $9.999999770e-03, v9;
	v8 =	vcvt.f32.s32 v8  }
0xd8: {  	v4 =	vadd.s32 $0x3E9, v4;
	[tilespmem:s24+$0xFFFFFF7E] =	vst v6;
	v9 =	vld [tilespmem:s22+$0xFFFFFF80]  }
0xd9: {  	v6 =	vld [tilespmem:s23+$0xFFFFFF80];
	v2 =	vtrunc.f32 v2;
	v8 =	vmul.u32 $0xFFFFFF9C, v8;
	v12 =	vcvt.s32.f32 v11  }
0xda: {  	v0 =	vsel vm0, v0, v4;
	v2 =	vcvt.f32.s32 v2;
	v5 =	vld.idx.msk [tilespmem:v5+s8+$0x0], $0xffff  }
0xdb: {  	vm1 =	vlt.s32 v1, $0x3E9;
	v8 =	vadd.s32 v8, v1;
	[tilespmem:s29+$0xFFFFFFFE] =	vst v10;
	v12 =	vmul.f32 $9.999999770e-03, v12;
	v7 =	vld.idx.msk [tilespmem:v7+s8+$0x0], $0xffff  }
0xdc: {  	vm0 =	vmmov vm1;
	v2 =	vmul.u32 $0xFFFFFF9C, v2;
	v8 =	vadd.s32 $0x3E9, v8;
	v10 =	vld [tilespmem:s26+$0x0]  }
0xdd: {  	v4 =	vcvt.s32.f32 v9;
	v1 =	vsel vm0, v1, v8;
	v12 =	vtrunc.f32 v12  }
0xde: {  	v8 =	vcvt.s32.f32 v6;
	v2 =	vadd.s32 v2, v15;
	v12 =	vcvt.f32.s32 v12  }
0xdf: {  	vm1 =	vlt.s32 v15, $0x3E9;
	v4 =	vmul.f32 $9.999999770e-03, v4;
	v2 =	vadd.s32 $0x3E9, v2;
	[tilespmem:s28+$0xFFFFFF7E] =	vst v5  }
0xe0: {  	v8 =	vmul.f32 $9.999999770e-03, v8;
	v2 =	vsel vm1, v15, v2;
	v5 =	vmul.u32 $0xFFFFFF9C, v12;
	v12 =	vld [tilespmem:s25+$0xFFFFFF80];
	[tilespmem:s29+$0xFFFFFF7E] =	vst v7  }
0xe1: {  	v4 =	vtrunc.f32 v4;
	vm1 =	vlt.s32 v9, $0x3E9;
	v13 =	vcvt.s32.f32 v10;
	v7 =	vld [tilespmem:s26+$0xFFFFFF80]  }
0xe2: {  	v4 =	vcvt.f32.s32 v4;
	vm0 =	vmmov vm1;
	vm1 =	vlt.s32 v11, $0x3E9  }
0xe3: {  	v8 =	vtrunc.f32 v8;
	v5 =	vadd.s32 v5, v11;
	v13 =	vmul.f32 $9.999999770e-03, v13  }
0xe4: {  	v8 =	vcvt.f32.s32 v8;
	v4 =	vmul.u32 $0xFFFFFF9C, v4;
	v5 =	vadd.s32 $0x3E9, v5  }
0xe5: {  	v5 =	vsel vm1, v11, v5;
	v11 =	vtrunc.f32 v13;
	v13 =	vcvt.s32.f32 v12  }
0xe6: {  	v4 =	vadd.s32 v4, v9;
	v11 =	vcvt.f32.s32 v11;
	v14 =	vcvt.s32.f32 v7  }
0xe7: {  	vm1 =	vlt.s32 v6, $0x3E9;
	v4 =	vadd.s32 $0x3E9, v4;
	v13 =	vmul.f32 $9.999999770e-03, v13  }
0xe8: {  	v4 =	vsel vm0, v9, v4;
	v11 =	vmul.u32 $0xFFFFFF9C, v11;
	v9 =	vmul.f32 $9.999999770e-03, v14  }
0xe9: {  	v8 =	vmul.u32 $0xFFFFFF9C, v8;
	vm0 =	vmmov vm1;
	v13 =	vtrunc.f32 v13  }
0xea: {  	v11 =	vadd.s32 v11, v10;
	v13 =	vcvt.f32.s32 v13;
	v9 =	vtrunc.f32 v9  }
0xeb: {  	vm1 =	vlt.s32 v10, $0x3E9;
	v11 =	vadd.s32 $0x3E9, v11;
	v9 =	vcvt.f32.s32 v9  }
0xec: {  	v8 =	vadd.s32 v8, v6;
	v10 =	vsel vm1, v10, v11;
	v11 =	vmul.u32 $0xFFFFFF9C, v13  }
0xed: {  	v3 =	vld.idx.msk [tilespmem:v3+s8+$0x0], $0xffff;
	v8 =	vadd.s32 $0x3E9, v8;
	vm1 =	vlt.s32 v12, $0x3E9;
	v9 =	vmul.u32 $0xFFFFFF9C, v9  }
0xee: {  	v2 =	vld.idx.msk [tilespmem:v2+s8+$0x0], $0xffff;
	v6 =	vsel vm0, v6, v8;
	vm0 =	vmmov vm1;
	v8 =	vadd.s32 v11, v12  }
0xef: {  	v0 =	vld.idx.msk [tilespmem:v0+s8+$0x0], $0xffff;
	vm1 =	vlt.s32 v7, $0x3E9;
	v8 =	vadd.s32 $0x3E9, v8;
	v9 =	vadd.s32 v9, v7  }
0xf0: {  	v1 =	vld.idx.msk [tilespmem:v1+s8+$0x0], $0xffff;
	v8 =	vsel vm0, v12, v8;
	vm0 =	vmmov vm1;
	v9 =	vadd.s32 $0x3E9, v9  }
0xf1: {  	v5 =	vld.idx.msk [tilespmem:v5+s8+$0x0], $0xffff;
	v7 =	vsel vm0, v7, v9  }
0xf2: {  	[tilespmem:s21+$0x0] =	vst v3;
	v3 =	vld.idx.msk [tilespmem:v4+s8+$0x0], $0xffff  }
0xf3: {  	[tilespmem:s24+$0x0] =	vst v2;
	v2 =	vld.idx.msk [tilespmem:v6+s8+$0x0], $0xffff  }
0xf4: {  	[tilespmem:s19+$0xFFFFFF80] =	vst v0;
	v0 =	vld.idx.msk [tilespmem:v10+s8+$0x0], $0xffff  }
0xf5: {  	[tilespmem:s20+$0xFFFFFF80] =	vst v1;
	v1 =	vld.idx.msk [tilespmem:v8+s8+$0x0], $0xffff  }
0xf6: {  	[tilespmem:s28+$0x0] =	vst v5;
	v4 =	vld.idx.msk [tilespmem:v7+s8+$0x0], $0xffff  }
0xf7: {  	[tilespmem:s21+$0xFFFFFF80] =	vst v3  }
0xf8: {  	[tilespmem:s24+$0xFFFFFF80] =	vst v2  }
0xf9: {  	[tilespmem:s29+$0x0] =	vst v0  }
0xfa: {  	[tilespmem:s28+$0xFFFFFF80] =	vst v1  }
0xfb: {  	[tilespmem:s29+$0xFFFFFF80] =	vst v4  }
0xfc: {  	[hbm4b:s6+s3] =	stream.linear.scatter [tilespmem:s12], [sflag:$0x4], $0x2000, $0x38;
	[tilespmem:$0x8480] =	vst v63  }
0xfd: {  	_ =	swait.ge [sflag:s13], $0x2000  }
0xfe: {  	[sflag:s13] =	ssyncset.done $0x0  }
0xff: {  	s26 =	simm.s32 $0x20A2;
	[sflag:s13] =	ssyncadd.s32 $0xFFFFE000  }
0x100: {  	v0 =	vld [tilespmem:s26+$0xFFFFFFDE];
	_ =	sdelay $0x4  }
0x101: {  	v1 =	vcvt.s32.f32 v0;
	_ =	sdelay $0x1  }
0x102: {  	v1 =	vmul.f32 $9.999999770e-03, v1;
	_ =	sdelay $0x1  }
0x103: {  	v1 =	vtrunc.f32 v1  }
0x104: {  	v1 =	vcvt.f32.s32 v1;
	_ =	sdelay $0x1  }
0x105: {  	v1 =	vmul.u32 $0xFFFFFF9C, v1;
	_ =	sdelay $0x1  }
0x106: {  	v1 =	vadd.s32 v1, v0  }
0x107: {  	v2 =	vld [tilespmem:s26+$0xFFFFFF5E];
	vm0 =	vlt.s32 v0, $0x3E9;
	v1 =	vadd.s32 $0x3E9, v1  }
0x108: {  	s28 =	simm.s32 $0x21A2;
	v0 =	vsel vm0, v0, v1  }
0x109: {  	v1 =	vld [tilespmem:s28+$0xFFFFFFDE];
	_ =	sdelay $0x2  }
0x10a: {  	v3 =	vcvt.s32.f32 v2  }
0x10b: {  	v0 =	vld.idx.msk [tilespmem:v0+s8+$0x0], $0xffff  }
0x10c: {  	v3 =	vmul.f32 $9.999999770e-03, v3;
	v4 =	vcvt.s32.f32 v1;
	_ =	sdelay $0x1  }
0x10d: {  	v3 =	vtrunc.f32 v3;
	v4 =	vmul.f32 $9.999999770e-03, v4  }
0x10e: {  	s19 =	simm.s32 $0x60A2;
	v3 =	vcvt.f32.s32 v3  }
0x10f: {  	v4 =	vtrunc.f32 v4;
	[tilespmem:s19+$0xFFFFFFDE] =	vst v0  }
0x110: {  	v0 =	vmul.u32 $0xFFFFFF9C, v3;
	v4 =	vcvt.f32.s32 v4;
	v3 =	vld [tilespmem:s26+$0xFFFFFFEE];
	_ =	sdelay $0x1  }
0x111: {  	v0 =	vadd.s32 v0, v2;
	v4 =	vmul.u32 $0xFFFFFF9C, v4  }
0x112: {  	vm0 =	vlt.s32 v2, $0x3E9;
	v0 =	vadd.s32 $0x3E9, v0  }
0x113: {  	v0 =	vsel vm0, v2, v0;
	v4 =	vadd.s32 v4, v1  }
0x114: {  	v2 =	vld [tilespmem:s28+$0xFFFFFF5E];
	vm0 =	vlt.s32 v1, $0x3E9;
	v4 =	vadd.s32 $0x3E9, v4;
	v5 =	vcvt.s32.f32 v3  }
0x115: {  	v1 =	vsel vm0, v1, v4  }
0x116: {  	v5 =	vmul.f32 $9.999999770e-03, v5;
	_ =	sdelay $0x1  }
0x117: {  	v0 =	vld.idx.msk [tilespmem:v0+s8+$0x0], $0xffff;
	v4 =	vtrunc.f32 v5  }
0x118: {  	v5 =	vcvt.s32.f32 v2;
	v4 =	vcvt.f32.s32 v4  }
0x119: {  	s22 =	simm.s32 $0x22A2;
	v1 =	vld.idx.msk [tilespmem:v1+s8+$0x0], $0xffff  }
0x11a: {  	v6 =	vld [tilespmem:s22+$0xFFFFFFDE];
	v5 =	vmul.f32 $9.999999770e-03, v5;
	v4 =	vmul.u32 $0xFFFFFF9C, v4;
	_ =	sdelay $0x1  }
0x11b: {  	[tilespmem:s19+$0xFFFFFF5E] =	vst v0;
	v0 =	vtrunc.f32 v5;
	v4 =	vadd.s32 v4, v3  }
0x11c: {  	s20 =	simm.s32 $0x61A2;
	vm0 =	vlt.s32 v3, $0x3E9;
	v5 =	vld [tilespmem:s26+$0xFFFFFF6E];
	v0 =	vcvt.f32.s32 v0;
	v4 =	vadd.s32 $0x3E9, v4  }
0x11d: {  	[tilespmem:s20+$0xFFFFFFDE] =	vst v1;
	v3 =	vsel vm0, v3, v4  }
0x11e: {  	v0 =	vmul.u32 $0xFFFFFF9C, v0;
	v1 =	vld [tilespmem:s28+$0xFFFFFFEE];
	v4 =	vcvt.s32.f32 v6;
	_ =	sdelay $0x1  }
0x11f: {  	v0 =	vadd.s32 v0, v2;
	v4 =	vmul.f32 $9.999999770e-03, v4  }
0x120: {  	vm0 =	vlt.s32 v2, $0x3E9;
	v0 =	vadd.s32 $0x3E9, v0;
	v7 =	vcvt.s32.f32 v5  }
0x121: {  	v0 =	vsel vm0, v2, v0;
	v4 =	vtrunc.f32 v4;
	v2 =	vld.idx.msk [tilespmem:v3+s8+$0x0], $0xffff  }
0x122: {  	v3 =	vmul.f32 $9.999999770e-03, v7;
	v7 =	vcvt.s32.f32 v1  }
0x123: {  	v4 =	vcvt.f32.s32 v4  }
0x124: {  	v3 =	vtrunc.f32 v3;
	v7 =	vmul.f32 $9.999999770e-03, v7  }
0x125: {  	v8 =	vld [tilespmem:s22+$0xFFFFFF5E];
	v4 =	vmul.u32 $0xFFFFFF9C, v4;
	v3 =	vcvt.f32.s32 v3  }
0x126: {  	v0 =	vld.idx.msk [tilespmem:v0+s8+$0x0], $0xffff;
	v7 =	vtrunc.f32 v7;
	[tilespmem:s19+$0xFFFFFFEE] =	vst v2  }
0x127: {  	v4 =	vadd.s32 v4, v6;
	v2 =	vmul.u32 $0xFFFFFF9C, v3;
	v7 =	vcvt.f32.s32 v7;
	v3 =	vld [tilespmem:s26+$0xFFFFFFFE]  }
0x128: {  	vm0 =	vlt.s32 v6, $0x3E9;
	v4 =	vadd.s32 $0x3E9, v4  }
0x129: {  	v4 =	vsel vm0, v6, v4;
	v2 =	vadd.s32 v2, v5;
	v6 =	vmul.u32 $0xFFFFFF9C, v7  }
0x12a: {  	vm0 =	vlt.s32 v5, $0x3E9;
	v2 =	vadd.s32 $0x3E9, v2  }
0x12b: {  	v7 =	vcvt.s32.f32 v8;
	[tilespmem:s20+$0xFFFFFF5E] =	vst v0;
	v0 =	vsel vm0, v5, v2;
	v5 =	vadd.s32 v6, v1  }
0x12c: {  	vm0 =	vlt.s32 v1, $0x3E9;
	v5 =	vadd.s32 $0x3E9, v5;
	v2 =	vcvt.s32.f32 v3  }
0x12d: {  	v6 =	vmul.f32 $9.999999770e-03, v7;
	v7 =	vld [tilespmem:s28+$0xFFFFFF6E];
	v1 =	vsel vm0, v1, v5  }
0x12e: {  	s23 =	simm.s32 $0x23A2;
	v4 =	vld.idx.msk [tilespmem:v4+s8+$0x0], $0xffff;
	v2 =	vmul.f32 $9.999999770e-03, v2  }
0x12f: {  	v5 =	vtrunc.f32 v6;
	v6 =	vld [tilespmem:s23+$0xFFFFFFDE]  }
0x130: {  	v5 =	vcvt.f32.s32 v5;
	v2 =	vtrunc.f32 v2  }
0x131: {  	v0 =	vld.idx.msk [tilespmem:v0+s8+$0x0], $0xffff;
	v2 =	vcvt.f32.s32 v2  }
0x132: {  	s21 =	simm.s32 $0x62A2;
	v5 =	vmul.u32 $0xFFFFFF9C, v5;
	v1 =	vld.idx.msk [tilespmem:v1+s8+$0x0], $0xffff  }
0x133: {  	v9 =	vcvt.s32.f32 v7;
	[tilespmem:s21+$0xFFFFFFDE] =	vst v4;
	v2 =	vmul.u32 $0xFFFFFF9C, v2  }
0x134: {  	vm0 =	vlt.s32 v8, $0x3E9;
	v4 =	vadd.s32 v5, v8;
	v10 =	vcvt.s32.f32 v6;
	v5 =	vld [tilespmem:s22+$0xFFFFFFEE]  }
0x135: {  	v9 =	vmul.f32 $9.999999770e-03, v9;
	v4 =	vadd.s32 $0x3E9, v4;
	v2 =	vadd.s32 v2, v3  }
0x136: {  	vm1 =	vlt.s32 v3, $0x3E9;
	v4 =	vsel vm0, v8, v4;
	v8 =	vld [tilespmem:s23+$0xFFFFFF5E];
	[tilespmem:s19+$0xFFFFFF6E] =	vst v0;
	v0 =	vadd.s32 $0x3E9, v2  }
0x137: {  	v2 =	vld [tilespmem:s26+$0xFFFFFF7E];
	[tilespmem:s20+$0xFFFFFFEE] =	vst v1;
	v0 =	vsel vm1, v3, v0;
	v3 =	vtrunc.f32 v9;
	v9 =	vmul.f32 $9.999999770e-03, v10  }
0x138: {  	v1 =	vld [tilespmem:s28+$0xFFFFFFFE];
	v3 =	vcvt.f32.s32 v3  }
0x139: {  	v10 =	vcvt.s32.f32 v5;
	v9 =	vtrunc.f32 v9  }
0x13a: {  	v3 =	vmul.u32 $0xFFFFFF9C, v3;
	v9 =	vcvt.f32.s32 v9  }
0x13b: {  	vm0 =	vlt.s32 v7, $0x3E9;
	v4 =	vld.idx.msk [tilespmem:v4+s8+$0x0], $0xffff;
	v12 =	vcvt.s32.f32 v8;
	v10 =	vmul.f32 $9.999999770e-03, v10  }
0x13c: {  	v11 =	vcvt.s32.f32 v2;
	v0 =	vld.idx.msk [tilespmem:v0+s8+$0x0], $0xffff;
	v3 =	vadd.s32 v3, v7;
	v9 =	vmul.u32 $0xFFFFFF9C, v9  }
0x13d: {  	v10 =	vtrunc.f32 v10;
	v13 =	vcvt.s32.f32 v1;
	v3 =	vadd.s32 $0x3E9, v3  }
0x13e: {  	v10 =	vcvt.f32.s32 v10;
	v9 =	vadd.s32 v9, v6;
	v3 =	vsel vm0, v7, v3  }
0x13f: {  	vm0 =	vlt.s32 v6, $0x3E9;
	v7 =	vadd.s32 $0x3E9, v9;
	v9 =	vmul.f32 $9.999999770e-03, v13  }
0x140: {  	[tilespmem:s21+$0xFFFFFF5E] =	vst v4;
	v6 =	vsel vm0, v6, v7;
	v7 =	vmul.u32 $0xFFFFFF9C, v10;
	v10 =	vmul.f32 $9.999999770e-03, v11  }
0x141: {  	v11 =	vld [tilespmem:s22+$0xFFFFFF6E];
	[tilespmem:s19+$0xFFFFFFFE] =	vst v0;
	v0 =	vmul.f32 $9.999999770e-03, v12;
	v9 =	vtrunc.f32 v9  }
0x142: {  	vm1 =	vlt.s32 v8, $0x3E9;
	v4 =	vld [tilespmem:s26+$0x0];
	v7 =	vadd.s32 v7, v5;
	v9 =	vcvt.f32.s32 v9  }
0x143: {  	vm0 =	vlt.s32 v5, $0x3E9;
	v7 =	vadd.s32 $0x3E9, v7;
	v0 =	vtrunc.f32 v0  }
0x144: {  	v3 =	vld.idx.msk [tilespmem:v3+s8+$0x0], $0xffff;
	v5 =	vsel vm0, v5, v7;
	v0 =	vcvt.f32.s32 v0;
	v9 =	vmul.u32 $0xFFFFFF9C, v9  }
0x145: {  	s25 =	simm.s32 $0x24A2;
	vm2 =	vlt.s32 v1, $0x3E9;
	v7 =	vtrunc.f32 v10;
	vm0 =	vlt.s32 v2, $0x3E9;
	v6 =	vld.idx.msk [tilespmem:v6+s8+$0x0], $0xffff  }
0x146: {  	v10 =	vld [tilespmem:s25+$0xFFFFFFDE];
	v13 =	vcvt.s32.f32 v11;
	v0 =	vmul.u32 $0xFFFFFF9C, v0;
	v9 =	vadd.s32 v9, v1  }
0x147: {  	v7 =	vcvt.f32.s32 v7;
	v12 =	vcvt.s32.f32 v4;
	v9 =	vadd.s32 $0x3E9, v9  }
0x148: {  	v0 =	vadd.s32 v0, v8;
	v1 =	vsel vm2, v1, v9;
	v9 =	vmul.f32 $9.999999770e-03, v13;
	v13 =	vld [tilespmem:s25+$0xFFFFFF5E]  }
0x149: {  	s24 =	simm.s32 $0x63A2;
	[tilespmem:s20+$0xFFFFFF6E] =	vst v3;
	v12 =	vmul.f32 $9.999999770e-03, v12;
	v3 =	vld.idx.msk [tilespmem:v5+s8+$0x0], $0xffff;
	v5 =	vmul.u32 $0xFFFFFF9C, v7;
	v0 =	vadd.s32 $0x3E9, v0  }
0x14a: {  	vm2 =	vlt.s32 v4, $0x3E9;
	v7 =	vld [tilespmem:s28+$0xFFFFFF7E];
	[tilespmem:s24+$0xFFFFFFDE] =	vst v6;
	v0 =	vsel vm1, v8, v0;
	v9 =	vtrunc.f32 v9  }
0x14b: {  	v6 =	vtrunc.f32 v12;
	v8 =	vld [tilespmem:s23+$0xFFFFFFEE];
	v12 =	vcvt.s32.f32 v10;
	v5 =	vadd.s32 v5, v2  }
0x14c: {  	v9 =	vcvt.f32.s32 v9;
	v6 =	vcvt.f32.s32 v6;
	v5 =	vadd.s32 $0x3E9, v5  }
0x14d: {  	vm1 =	vlt.s32 v11, $0x3E9;
	v12 =	vmul.f32 $9.999999770e-03, v12;
	v2 =	vsel vm0, v2, v5  }
0x14e: {  	v1 =	vld.idx.msk [tilespmem:v1+s8+$0x0], $0xffff;
	v5 =	vmul.u32 $0xFFFFFF9C, v9;
	v15 =	vcvt.s32.f32 v13;
	v6 =	vmul.u32 $0xFFFFFF9C, v6;
	[tilespmem:s21+$0xFFFFFFEE] =	vst v3  }
0x14f: {  	v3 =	vcvt.s32.f32 v7;
	vm0 =	vlt.s32 v7, $0x3E9;
	v9 =	vld [tilespmem:s22+$0xFFFFFFFE];
	v12 =	vtrunc.f32 v12  }
0x150: {  	v5 =	vadd.s32 v5, v11;
	v0 =	vld.idx.msk [tilespmem:v0+s8+$0x0], $0xffff;
	v14 =	vcvt.s32.f32 v8;
	v12 =	vcvt.f32.s32 v12  }
0x151: {  	v6 =	vadd.s32 v6, v4;
	v5 =	vadd.s32 $0x3E9, v5;
	v3 =	vmul.f32 $9.999999770e-03, v3  }
0x152: {  	v5 =	vsel vm1, v11, v5;
	v14 =	vmul.f32 $9.999999770e-03, v14;
	v12 =	vmul.u32 $0xFFFFFF9C, v12  }
0x153: {  	v15 =	vmul.f32 $9.999999770e-03, v15;
	v6 =	vadd.s32 $0x3E9, v6;
	vm1 =	vlt.s32 v10, $0x3E9;
	[tilespmem:s20+$0xFFFFFFFE] =	vst v1  }
0x154: {  	v3 =	vtrunc.f32 v3;
	v1 =	vtrunc.f32 v14;
	v12 =	vadd.s32 v12, v10;
	v14 =	vld [tilespmem:s28+$0x0]  }
0x155: {  	v2 =	vld.idx.msk [tilespmem:v2+s8+$0x0], $0xffff;
	v11 =	vcvt.s32.f32 v9;
	[tilespmem:s24+$0xFFFFFF5E] =	vst v0;
	v1 =	vcvt.f32.s32 v1;
	v12 =	vadd.s32 $0x3E9, v12  }
0x156: {  	v4 =	vsel vm2, v4, v6;
	vm2 =	vlt.s32 v13, $0x3E9;
	v6 =	vld [tilespmem:s23+$0xFFFFFF6E];
	v10 =	vsel vm1, v10, v12  }
0x157: {  	v0 =	vmul.f32 $9.999999770e-03, v11;
	v11 =	vtrunc.f32 v15;
	v5 =	vld.idx.msk [tilespmem:v5+s8+$0x0], $0xffff;
	v1 =	vmul.u32 $0xFFFFFF9C, v1  }
0x158: {  	v3 =	vcvt.f32.s32 v3;
	vm1 =	vlt.s32 v8, $0x3E9;
	v11 =	vcvt.f32.s32 v11  }
0x159: {  	v0 =	vtrunc.f32 v0;
	v1 =	vadd.s32 v1, v8;
	v12 =	vcvt.s32.f32 v14  }
0x15a: {  	v11 =	vmul.u32 $0xFFFFFF9C, v11;
	v15 =	vcvt.f32.s32 v0;
	v1 =	vadd.s32 $0x3E9, v1  }
0x15b: {  	[tilespmem:s19+$0xFFFFFF7E] =	vst v2;
	v2 =	vmul.u32 $0xFFFFFF9C, v3;
	v8 =	vsel vm1, v8, v1;
	v10 =	vld.idx.msk [tilespmem:v10+s8+$0x0], $0xffff;
	v1 =	vmul.f32 $9.999999770e-03, v12  }
0x15c: {  	v0 =	vld [tilespmem:s26+$0xFFFFFF80];
	s26 =	simm.s32 $0x25A2;
	v3 =	vadd.s32 v11, v13;
	v11 =	vmul.u32 $0xFFFFFF9C, v15;
	[tilespmem:s21+$0xFFFFFF6E] =	vst v5;
	v5 =	vcvt.s32.f32 v6  }
0x15d: {  	vm3 =	vlt.s32 v9, $0x3E9;
	v2 =	vadd.s32 v2, v7;
	v15 =	vld [tilespmem:s26+$0xFFFFFFDE];
	v3 =	vadd.s32 $0x3E9, v3  }
0x15e: {  	v12 =	vtrunc.f32 v1;
	v1 =	vld [tilespmem:s22+$0xFFFFFF7E];
	v11 =	vadd.s32 v11, v9;
	v5 =	vmul.f32 $9.999999770e-03, v5  }
0x15f: {  	s29 =	simm.s32 $0x64A2;
	v3 =	vsel vm2, v13, v3;
	v13 =	vld [tilespmem:s26+$0xFFFFFF5E];
	v12 =	vcvt.f32.s32 v12;
	v11 =	vadd.s32 $0x3E9, v11  }
0x160: {  	v2 =	vadd.s32 $0x3E9, v2;
	vm1 =	vlt.s32 v6, $0x3E9;
	v9 =	vsel vm3, v9, v11;
	v8 =	vld.idx.msk [tilespmem:v8+s8+$0x0], $0xffff;
	[tilespmem:s29+$0xFFFFFFDE] =	vst v10  }
0x161: {  	v2 =	vsel vm0, v7, v2;
	v5 =	vtrunc.f32 v5;
	v11 =	vmul.u32 $0xFFFFFF9C, v12;
	v10 =	vld [tilespmem:s25+$0xFFFFFFEE]  }
0x162: {  	vm2 =	vlt.s32 v14, $0x3E9;
	v5 =	vcvt.f32.s32 v5;
	v7 =	vcvt.s32.f32 v15  }
0x163: {  	v12 =	vcvt.s32.f32 v0;
	v11 =	vadd.s32 v11, v14;
	v59 =	vcvt.s32.f32 v1  }
0x164: {  	v17 =	vmul.u32 $0xFFFFFF9C, v5;
	v7 =	vmul.f32 $9.999999770e-03, v7;
	vm0 =	vlt.s32 v1, $0x3E9  }
0x165: {  	v12 =	vmul.f32 $9.999999770e-03, v12;
	vm3 =	vlt.s32 v13, $0x3E9;
	v16 =	vmul.f32 $9.999999770e-03, v59;
	v9 =	vld.idx.msk [tilespmem:v9+s8+$0x0], $0xffff;
	[tilespmem:s24+$0xFFFFFFEE] =	vst v8  }
0x166: {  	v11 =	vadd.s32 $0x3E9, v11;
	v7 =	vtrunc.f32 v7;
	v8 =	vcvt.s32.f32 v10;
	v5 =	vld [tilespmem:s23+$0xFFFFFFFE]  }
0x167: {  	v11 =	vsel vm2, v14, v11;
	v14 =	vcvt.s32.f32 v13;
	v7 =	vcvt.f32.s32 v7  }
0x168: {  	v18 =	vld.idx.msk [tilespmem:v3+s8+$0x0], $0xffff;
	v17 =	vadd.s32 v17, v6;
	v12 =	vtrunc.f32 v12;
	v8 =	vmul.f32 $9.999999770e-03, v8  }
0x169: {  	v3 =	vadd.s32 $0x3E9, v17;
	v14 =	vmul.f32 $9.999999770e-03, v14;
	v7 =	vmul.u32 $0xFFFFFF9C, v7  }
0x16a: {  	v16 =	vtrunc.f32 v16;
	v17 =	vsel vm1, v6, v3;
	[tilespmem:s21+$0xFFFFFFFE] =	vst v9;
	v8 =	vtrunc.f32 v8  }
0x16b: {  	v7 =	vadd.s32 v7, v15;
	v3 =	vld [tilespmem:s22+$0x0];
	v6 =	vcvt.f32.s32 v8;
	v9 =	vcvt.s32.f32 v5  }
0x16c: {  	vm1 =	vlt.s32 v15, $0x3E9;
	v7 =	vadd.s32 $0x3E9, v7;
	v8 =	vtrunc.f32 v14  }
0x16d: {  	v2 =	vld.idx.msk [tilespmem:v2+s8+$0x0], $0xffff;
	[tilespmem:s29+$0xFFFFFF5E] =	vst v18;
	v8 =	vcvt.f32.s32 v8;
	v14 =	vmul.u32 $0xFFFFFF9C, v6;
	v9 =	vmul.f32 $9.999999770e-03, v9  }
0x16e: {  	v7 =	vsel vm1, v15, v7;
	v15 =	vcvt.f32.s32 v16;
	vm1 =	vlt.s32 v10, $0x3E9;
	v6 =	vld [tilespmem:s25+$0xFFFFFF6E]  }
0x16f: {  	v60 =	vld.idx.msk [tilespmem:v4+s8+$0x0], $0xffff;
	v8 =	vmul.u32 $0xFFFFFF9C, v8;
	v14 =	vadd.s32 v14, v10;
	v9 =	vtrunc.f32 v9  }
0x170: {  	v61 =	vcvt.s32.f32 v3;
	v4 =	vadd.s32 $0x3E9, v14;
	v14 =	vld.idx.msk [tilespmem:v17+s8+$0x0], $0xffff;
	v9 =	vcvt.f32.s32 v9  }
0x171: {  	v62 =	vld.idx.msk [tilespmem:v11+s8+$0x0], $0xffff;
	v8 =	vadd.s32 v8, v13;
	v10 =	vsel vm1, v10, v4;
	vm1 =	vlt.s32 v0, $0x3E9  }
0x172: {  	v4 =	vcvt.f32.s32 v12;
	v12 =	vmul.u32 $0xFFFFFF9C, v15;
	v15 =	vmul.f32 $9.999999770e-03, v61  }
0x173: {  	[tilespmem:s20+$0xFFFFFF7E] =	vst v2;
	v8 =	vadd.s32 $0x3E9, v8;
	vm2 =	vlt.s32 v6, $0x3E9;
	v9 =	vmul.u32 $0xFFFFFF9C, v9  }
0x174: {  	[tilespmem:s19+$0x0] =	vst v60;
	v2 =	vld [tilespmem:s28+$0xFFFFFF80];
	v11 =	vsel vm3, v13, v8;
	v63 =	vcvt.s32.f32 v6;
	vm3 =	vlt.s32 v5, $0x3E9  }
0x175: {  	s30 =	simm.s32 $0x4A;
	v13 =	vld.idx.msk [tilespmem:v7+s8+$0x0], $0xffff;
	v8 =	vtrunc.f32 v15;
	v15 =	vadd.s32 v9, v5;
	v9 =	vadd.s32 v12, v1;
	[tilespmem:s24+$0xFFFFFF6E] =	vst v14  }
0x176: {  	s31 =	simm.s32 $0x26A2;
	s28 =	simm.s32 $0x64A2;
	[tilespmem:s20+$0x0] =	vst v62;
	v8 =	vcvt.f32.s32 v8;
	v14 =	vmul.f32 $9.999999770e-03, v63;
	v12 =	vadd.s32 $0x3E9, v15;
	v7 =	vld [tilespmem:s23+$0xFFFFFF7E]  }
.LBB2_4:
0x177: {  	v5 =	vsel vm3, v5, v12  }
0x178: {  	v15 =	vld [tilespmem:s31+$0xFFFFFFDE];
	s30 =	sadd.s32 $0x2, s30;
	v9 =	vadd.s32 $0x3E9, v9;
	v8 =	vmul.u32 $0xFFFFFF9C, v8;
	vm4 =	vmmov vm1  }
0x179: {  	p0 =	slt.u32 s30, $0x7E;
	v12 =	vtrunc.f32 v14;
	v10 =	vld.idx.msk [tilespmem:v10+s8+$0x0], $0xffff;
	v9 =	vsel vm0, v1, v9;
	v14 =	vcvt.s32.f32 v2  }
0x17a: {  	s29 =	sadd.s32 $0x100, s29;
	v4 =	vmul.u32 $0xFFFFFF9C, v4;
	v16 =	vld [tilespmem:s31+$0xFFFFFF5E];
	v12 =	vcvt.f32.s32 v12;
	v17 =	vadd.s32 v8, v3  }
0x17b: {  	vm1 =	vlt.s32 v3, $0x3E9;
	v8 =	vld.idx.msk [tilespmem:v11+s8+$0x0], $0xffff;
	[tilespmem:s29+$0xFFFFFFDE] =	vst v13;
	v11 =	vcvt.s32.f32 v7;
	v13 =	vadd.s32 $0x3E9, v17;
	v1 =	vmovc v7  }
0x17c: {  	v7 =	vld [tilespmem:s26+$0xFFFFFFEE];
	v12 =	vmul.u32 $0xFFFFFF9C, v12;
	vm0 =	vlt.s32 v1, $0x3E9;
	v3 =	vsel vm1, v3, v13  }
0x17d: {  	v4 =	vadd.s32 v4, v0;
	v13 =	vcvt.s32.f32 v15;
	v11 =	vmul.f32 $9.999999770e-03, v11;
	v17 =	vld.idx.msk [tilespmem:v5+s8+$0x0], $0xffff  }
0x17e: {  	v4 =	vadd.s32 $0x3E9, v4;
	v5 =	vadd.s32 v12, v6;
	v9 =	vld.idx.msk [tilespmem:v9+s8+$0x0], $0xffff;
	v12 =	vmul.f32 $9.999999770e-03, v14  }
0x17f: {  	v14 =	vcvt.s32.f32 v16;
	vm3 =	vlt.s32 v16, $0x3E9;
	v13 =	vmul.f32 $9.999999770e-03, v13;
	[tilespmem:s28+$0xFFFFFFEE] =	vst v10  }
0x180: {  	v10 =	vadd.s32 $0x3E9, v5;
	v11 =	vtrunc.f32 v11;
	v5 =	vld [tilespmem:s25+$0xFFFFFFFE];
	v12 =	vtrunc.f32 v12  }
0x181: {  	v10 =	vsel vm2, v6, v10;
	v13 =	vtrunc.f32 v13;
	[tilespmem:s29+$0xFFFFFF5E] =	vst v8;
	v8 =	vcvt.s32.f32 v7;
	v18 =	vld.idx.msk [tilespmem:v3+s8+$0x0], $0xffff  }
0x182: {  	vm1 =	vlt.s32 v2, $0x3E9;
	v3 =	vmul.f32 $9.999999770e-03, v14;
	v13 =	vcvt.f32.s32 v13;
	v6 =	vld [tilespmem:s26+$0xFFFFFF6E]  }
0x183: {  	v11 =	vcvt.f32.s32 v11;
	v14 =	vsel vm4, v0, v4;
	v0 =	vmovc v2;
	v8 =	vmul.f32 $9.999999770e-03, v8;
	[tilespmem:s24+$0xFFFFFFFE] =	vst v17  }
0x184: {  	v4 =	vcvt.f32.s32 v12;
	v17 =	vtrunc.f32 v3;
	v13 =	vmul.u32 $0xFFFFFF9C, v13;
	v3 =	vld [tilespmem:s23+$0x0];
	[tilespmem:s21+$0xFFFFFF7E] =	vst v9  }
0x185: {  	v12 =	vmul.u32 $0xFFFFFF9C, v11;
	v8 =	vtrunc.f32 v8;
	v9 =	vcvt.s32.f32 v5;
	v2 =	vld [tilespmem:s22+$0xFFFFFF80];
	s22 =	smov.u32 s23;
	s23 =	smov.u32 s25;
	s25 =	smov.u32 s26  }
0x186: {  	v11 =	vcvt.f32.s32 v17;
	s26 =	smov.u32 s31;
	v13 =	vadd.s32 v13, v15;
	v8 =	vcvt.f32.s32 v8;
	v17 =	vld.idx.msk [tilespmem:v10+s8+$0x0], $0xffff  }
0x187: {  	vm2 =	vlt.s32 v15, $0x3E9;
	v10 =	vadd.s32 $0x3E9, v13;
	v9 =	vmul.f32 $9.999999770e-03, v9;
	[tilespmem:s21+$0x0] =	vst v18  }
0x188: {  	v11 =	vmul.u32 $0xFFFFFF9C, v11;
	v13 =	vsel vm2, v15, v10;
	v8 =	vmul.u32 $0xFFFFFF9C, v8;
	v14 =	vld.idx.msk [tilespmem:v14+s8+$0x0], $0xffff  }
0x189: {  	vm2 =	vlt.s32 v6, $0x3E9;
	v9 =	vtrunc.f32 v9;
	v10 =	vcvt.s32.f32 v3  }
0x18a: {  	v11 =	vadd.s32 v11, v16;
	v8 =	vadd.s32 v8, v7;
	v9 =	vcvt.f32.s32 v9  }
.Ltmp1:
0x18b: {  	vm4 =	vlt.s32 v7, $0x3E9;
	v8 =	vadd.s32 $0x3E9, v8;
	v15 =	vmul.f32 $9.999999770e-03, v10;
	(pc) =	sbr.rel @p0 .LBB2_4-.Ltmp1, $4  }
0x18c: {  	v11 =	vadd.s32 $0x3E9, v11;
	v10 =	vsel vm4, v7, v8;
	[tilespmem:s28+$0xFFFFFF6E] =	vst v17;
	v8 =	vmul.u32 $0xFFFFFF9C, v9  }
0x18d: {  	v11 =	vsel vm3, v16, v11;
	v16 =	vcvt.s32.f32 v6;
	v13 =	vld.idx.msk [tilespmem:v13+s8+$0x0], $0xffff;
	v15 =	vtrunc.f32 v15  }
0x18e: {  	v9 =	vadd.s32 v12, v1;
	v7 =	vld [tilespmem:s23+$0xFFFFFF7E];
	v17 =	vadd.s32 v8, v5;
	v8 =	vcvt.f32.s32 v15;
	[tilespmem:s19+$0xFFFFFF80] =	vst v14;
	s19 =	smov.u32 s20;
	s20 =	smov.u32 s21;
	s21 =	smov.u32 s24  }
0x18f: {  	s31 =	sadd.s32 $0x100, s31;
	vm3 =	vlt.s32 v5, $0x3E9;
	v14 =	vmul.f32 $9.999999770e-03, v16;
	s24 =	smov.u32 s28;
	s28 =	smov.u32 s29;
	v12 =	vadd.s32 $0x3E9, v17  }
0x190: {  	_ =	sdelay $0x2  }
0x191: {  	s29 =	sadd.s32 $0x100, s29  }
0x192: {  	v11 =	vld.idx.msk [tilespmem:v11+s8+$0x0], $0xffff;
	[tilespmem:s29+$0xFFFFFFDE] =	vst v13  }
0x193: {  	v13 =	vld [tilespmem:s26+$0xFFFFFFEE];
	_ =	sdelay $0x3  }
0x194: {  	[tilespmem:s29+$0xFFFFFF5E] =	vst v11  }
0x195: {  	v59 =	vld [tilespmem:s26+$0xFFFFFF6E];
	v15 =	vcvt.s32.f32 v13;
	_ =	sdelay $0x1  }
0x196: {  	v58 =	vmul.f32 $9.999999770e-03, v15;
	_ =	sdelay $0x1  }
0x197: {  	v11 =	vtrunc.f32 v58  }
0x198: {  	v16 =	vcvt.s32.f32 v59;
	v11 =	vcvt.f32.s32 v11  }
0x199: {  	v14 =	vtrunc.f32 v14  }
0x19a: {  	v14 =	vcvt.f32.s32 v14;
	v16 =	vmul.f32 $9.999999770e-03, v16;
	v11 =	vmul.u32 $0xFFFFFF9C, v11;
	_ =	sdelay $0x1  }
0x19b: {  	v10 =	vld.idx.msk [tilespmem:v10+s8+$0x0], $0xffff;
	v60 =	vmul.u32 $0xFFFFFF9C, v14;
	v61 =	vtrunc.f32 v16;
	v11 =	vadd.s32 v11, v13  }
0x19c: {  	vm4 =	vlt.s32 v13, $0x3E9;
	v14 =	vcvt.f32.s32 v61;
	v11 =	vadd.s32 $0x3E9, v11  }
0x19d: {  	v11 =	vsel vm4, v13, v11  }
0x19e: {  	v18 =	vmul.u32 $0xFFFFFF9C, v14  }
0x19f: {  	v13 =	vadd.s32 v60, v6  }
0x1a0: {  	[tilespmem:s28+$0xFFFFFFEE] =	vst v10;
	v62 =	vadd.s32 $0x3E9, v13;
	v10 =	vadd.s32 v18, v59  }
0x1a1: {  	vm9 =	vlt.s32 v59, $0x3E9;
	v17 =	vsel vm2, v6, v62;
	v10 =	vadd.s32 $0x3E9, v10  }
0x1a2: {  	v10 =	vsel vm9, v59, v10;
	v11 =	vld.idx.msk [tilespmem:v11+s8+$0x0], $0xffff  }
0x1a3: {  	v63 =	vld [tilespmem:s25+$0xFFFFFFFE];
	_ =	sdelay $0x2  }
0x1a4: {  	v6 =	vld.idx.msk [tilespmem:v17+s8+$0x0], $0xffff  }
0x1a5: {  	v10 =	vld.idx.msk [tilespmem:v10+s8+$0x0], $0xffff;
	[tilespmem:s29+$0xFFFFFFEE] =	vst v11  }
0x1a6: {  	v19 =	vcvt.s32.f32 v63;
	v11 =	vld [tilespmem:s26+$0xFFFFFFFE];
	_ =	sdelay $0x1  }
0x1a7: {  	v14 =	vmul.f32 $9.999999770e-03, v19  }
0x1a8: {  	v5 =	vsel vm3, v5, v12  }
0x1a9: {  	v9 =	vadd.s32 $0x3E9, v9;
	v23 =	vcvt.s32.f32 v7;
	v14 =	vtrunc.f32 v14;
	[tilespmem:s28+$0xFFFFFF6E] =	vst v6  }
0x1aa: {  	v1 =	vsel vm0, v1, v9;
	v20 =	vcvt.f32.s32 v14;
	v21 =	vld [tilespmem:s25+$0xFFFFFF7E];
	[tilespmem:s29+$0xFFFFFF6E] =	vst v10;
	v22 =	vcvt.s32.f32 v11  }
0x1ab: {  	v24 =	vmul.f32 $9.999999770e-03, v23;
	v25 =	vld [tilespmem:s26+$0xFFFFFF7E]  }
0x1ac: {  	v6 =	vmul.u32 $0xFFFFFF9C, v20;
	v12 =	vmul.f32 $9.999999770e-03, v22  }
0x1ad: {  	v5 =	vld.idx.msk [tilespmem:v5+s8+$0x0], $0xffff;
	vm10 =	vlt.s32 v63, $0x3E9;
	v10 =	vtrunc.f32 v24  }
0x1ae: {  	v6 =	vadd.s32 v6, v63;
	v10 =	vcvt.f32.s32 v10;
	v12 =	vtrunc.f32 v12  }
0x1af: {  	v1 =	vld.idx.msk [tilespmem:v1+s8+$0x0], $0xffff;
	v6 =	vadd.s32 $0x3E9, v6;
	v26 =	vcvt.s32.f32 v21;
	v12 =	vcvt.f32.s32 v12  }
0x1b0: {  	v8 =	vmul.u32 $0xFFFFFF9C, v8;
	v6 =	vsel vm10, v63, v6;
	v29 =	vcvt.s32.f32 v25  }
0x1b1: {  	v10 =	vmul.u32 $0xFFFFFF9C, v10;
	v27 =	vmul.f32 $9.999999770e-03, v26;
	v12 =	vmul.u32 $0xFFFFFF9C, v12  }
0x1b2: {  	vm1 =	vmmov vm1;
	v4 =	vmul.u32 $0xFFFFFF9C, v4;
	[tilespmem:s24+$0xFFFFFFFE] =	vst v5;
	v32 =	vmul.f32 $9.999999770e-03, v29  }
0x1b3: {  	v33 =	vld [tilespmem:s23+$0x0];
	v10 =	vadd.s32 v10, v7;
	v28 =	vtrunc.f32 v27;
	v12 =	vadd.s32 v12, v11  }
0x1b4: {  	[tilespmem:s21+$0xFFFFFF7E] =	vst v1;
	v9 =	vcvt.f32.s32 v28;
	v31 =	vadd.s32 $0x3E9, v12;
	v12 =	vtrunc.f32 v32  }
0x1b5: {  	vm12 =	vlt.s32 v7, $0x3E9;
	v40 =	vld [tilespmem:s22+$0xFFFFFF80];
	v10 =	vadd.s32 $0x3E9, v10;
	v12 =	vcvt.f32.s32 v12  }
0x1b6: {  	v8 =	vadd.s32 v8, v3;
	v7 =	vsel vm12, v7, v10;
	v30 =	vld.idx.msk [tilespmem:v6+s8+$0x0], $0xffff;
	v9 =	vmul.u32 $0xFFFFFF9C, v9  }
0x1b7: {  	v4 =	vadd.s32 v4, v0;
	vm11 =	vlt.s32 v11, $0x3E9;
	v35 =	vmul.u32 $0xFFFFFF9C, v12  }
0x1b8: {  	v36 =	vcvt.s32.f32 v33;
	v6 =	vsel vm11, v11, v31;
	v9 =	vadd.s32 v9, v21  }
0x1b9: {  	vm13 =	vlt.s32 v21, $0x3E9;
	v34 =	vadd.s32 $0x3E9, v9;
	v9 =	vadd.s32 v35, v25  }
0x1ba: {  	vm14 =	vlt.s32 v25, $0x3E9;
	v5 =	vsel vm13, v21, v34;
	v9 =	vadd.s32 $0x3E9, v9  }
0x1bb: {  	v46 =	vcvt.s32.f32 v40;
	v39 =	vmul.f32 $9.999999770e-03, v36;
	v7 =	vld.idx.msk [tilespmem:v7+s8+$0x0], $0xffff;
	[tilespmem:s28+$0xFFFFFFFE] =	vst v30;
	v9 =	vsel vm14, v25, v9  }
0x1bc: {  	vm15 =	vlt.s32 v3, $0x3E9;
	v8 =	vadd.s32 $0x3E9, v8;
	v4 =	vadd.s32 $0x3E9, v4;
	v37 =	vld [tilespmem:s25+$0x0]  }
0x1bd: {  	v45 =	vsel vm1, v0, v4;
	v4 =	vmul.f32 $9.999999770e-03, v46;
	v1 =	vtrunc.f32 v39;
	v6 =	vld.idx.msk [tilespmem:v6+s8+$0x0], $0xffff  }
0x1be: {  	v38 =	vcvt.s32.f32 v2;
	v3 =	vsel vm15, v3, v8;
	v1 =	vcvt.f32.s32 v1  }
0x1bf: {  	vm5 =	vlt.s32 v33, $0x3E9;
	vm6 =	vlt.s32 v40, $0x3E9;
	v4 =	vtrunc.f32 v4;
	v5 =	vld.idx.msk [tilespmem:v5+s8+$0x0], $0xffff  }
0x1c0: {  	v13 =	vmul.f32 $9.999999770e-03, v38;
	v4 =	vcvt.f32.s32 v4;
	v1 =	vmul.u32 $0xFFFFFF9C, v1;
	v9 =	vld.idx.msk [tilespmem:v9+s8+$0x0], $0xffff  }
0x1c1: {  	vm7 =	vmmov vm6;
	vm4 =	vlt.s32 v2, $0x3E9;
	[tilespmem:s24+$0xFFFFFF7E] =	vst v7;
	v42 =	vcvt.s32.f32 v37  }
0x1c2: {  	v41 =	vtrunc.f32 v13;
	v4 =	vmul.u32 $0xFFFFFF9C, v4;
	v1 =	vadd.s32 v1, v33;
	v7 =	vld [tilespmem:s23+$0xFFFFFF80];
	[tilespmem:s29+$0xFFFFFFFE] =	vst v6  }
0x1c3: {  	v43 =	vcvt.f32.s32 v41;
	v1 =	vadd.s32 $0x3E9, v1;
	v13 =	vmul.f32 $9.999999770e-03, v42;
	v44 =	vld [tilespmem:s26+$0x0]  }
0x1c4: {  	vm0 =	vmmov vm4;
	v4 =	vadd.s32 v4, v40;
	v1 =	vsel vm5, v33, v1;
	[tilespmem:s28+$0xFFFFFF7E] =	vst v5  }
0x1c5: {  	v4 =	vadd.s32 $0x3E9, v4;
	v13 =	vtrunc.f32 v13;
	v6 =	vmul.u32 $0xFFFFFF9C, v43;
	v48 =	vld [tilespmem:s25+$0xFFFFFF80];
	[tilespmem:s29+$0xFFFFFF7E] =	vst v9  }
0x1c6: {  	v4 =	vsel vm7, v40, v4;
	vm8 =	vlt.s32 v37, $0x3E9;
	v13 =	vcvt.f32.s32 v13;
	v51 =	vld [tilespmem:s26+$0xFFFFFF80]  }
0x1c7: {  	v52 =	vcvt.s32.f32 v7;
	vm9 =	vlt.s32 v7, $0x3E9;
	v6 =	vadd.s32 v6, v2  }
0x1c8: {  	v47 =	vmul.u32 $0xFFFFFF9C, v13;
	v6 =	vadd.s32 $0x3E9, v6;
	v49 =	vcvt.s32.f32 v44  }
0x1c9: {  	vm10 =	vmmov vm9;
	v50 =	vsel vm0, v2, v6;
	v9 =	vmul.f32 $9.999999770e-03, v52  }
0x1ca: {  	v5 =	vadd.s32 v47, v37;
	v13 =	vmul.f32 $9.999999770e-03, v49;
	v54 =	vcvt.s32.f32 v48  }
0x1cb: {  	v5 =	vadd.s32 $0x3E9, v5;
	v9 =	vtrunc.f32 v9;
	v55 =	vcvt.s32.f32 v51  }
0x1cc: {  	v5 =	vsel vm8, v37, v5;
	v53 =	vtrunc.f32 v13;
	v13 =	vmul.f32 $9.999999770e-03, v54  }
0x1cd: {  	vm11 =	vlt.s32 v44, $0x3E9;
	v9 =	vcvt.f32.s32 v9;
	v56 =	vmul.f32 $9.999999770e-03, v55  }
0x1ce: {  	vm12 =	vlt.s32 v48, $0x3E9;
	v12 =	vcvt.f32.s32 v53;
	v13 =	vtrunc.f32 v13  }
0x1cf: {  	v9 =	vmul.u32 $0xFFFFFF9C, v9;
	v13 =	vcvt.f32.s32 v13;
	v10 =	vtrunc.f32 v56  }
0x1d0: {  	vm13 =	vmmov vm12;
	v12 =	vmul.u32 $0xFFFFFF9C, v12;
	v10 =	vcvt.f32.s32 v10  }
0x1d1: {  	vm14 =	vlt.s32 v51, $0x3E9;
	v9 =	vadd.s32 v9, v7;
	v57 =	vmul.u32 $0xFFFFFF9C, v13  }
0x1d2: {  	v3 =	vld.idx.msk [tilespmem:v3+s8+$0x0], $0xffff;
	v9 =	vadd.s32 $0x3E9, v9;
	v12 =	vadd.s32 v12, v44;
	v10 =	vmul.u32 $0xFFFFFF9C, v10  }
0x1d3: {  	v0 =	vld.idx.msk [tilespmem:v45+s8+$0x0], $0xffff;
	v7 =	vsel vm10, v7, v9;
	v12 =	vadd.s32 $0x3E9, v12;
	v58 =	vadd.s32 v57, v48  }
0x1d4: {  	v1 =	vld.idx.msk [tilespmem:v1+s8+$0x0], $0xffff;
	v8 =	vsel vm11, v44, v12;
	v9 =	vadd.s32 $0x3E9, v58;
	v10 =	vadd.s32 v10, v51  }
0x1d5: {  	v59 =	vld.idx.msk [tilespmem:v4+s8+$0x0], $0xffff;
	vm15 =	vmmov vm14;
	v9 =	vsel vm13, v48, v9;
	v10 =	vadd.s32 $0x3E9, v10  }
0x1d6: {  	v2 =	vld.idx.msk [tilespmem:v50+s8+$0x0], $0xffff;
	v6 =	vsel vm15, v51, v10  }
0x1d7: {  	[tilespmem:s21+$0x0] =	vst v3;
	v5 =	vld.idx.msk [tilespmem:v5+s8+$0x0], $0xffff  }
0x1d8: {  	[tilespmem:s19+$0xFFFFFF80] =	vst v0;
	v61 =	vld.idx.msk [tilespmem:v7+s8+$0x0], $0xffff  }
0x1d9: {  	[tilespmem:s24+$0x0] =	vst v1;
	v60 =	vld.idx.msk [tilespmem:v8+s8+$0x0], $0xffff  }
0x1da: {  	[tilespmem:s21+$0xFFFFFF80] =	vst v59;
	v62 =	vld.idx.msk [tilespmem:v9+s8+$0x0], $0xffff  }
0x1db: {  	[tilespmem:s20+$0xFFFFFF80] =	vst v2;
	v63 =	vld.idx.msk [tilespmem:v6+s8+$0x0], $0xffff  }
0x1dc: {  	[tilespmem:s28+$0x0] =	vst v5  }
0x1dd: {  	[tilespmem:s24+$0xFFFFFF80] =	vst v61  }
0x1de: {  	[tilespmem:s29+$0x0] =	vst v60  }
0x1df: {  	[tilespmem:s28+$0xFFFFFF80] =	vst v62  }
0x1e0: {  	[tilespmem:s29+$0xFFFFFF80] =	vst v63  }
0x1e1: {  	s18 =	sadd.s32 $0x1, s18;
	_ =	swait.ge [sflag:s14], $0x2000  }
0x1e2: {  	p0 =	sne.s32 s18, s7;
	[sflag:s14] =	ssyncset.done $0x0  }
.Ltmp2:
0x1e3: {  	[sflag:s14] =	ssyncadd.s32 $0xFFFFE000;
	(pc) =	sbr.rel @p0 .LBB2_1-.Ltmp2, $4  }
0x1e4: {  	[hbm4b:s15+s3] =	stream.linear.scatter [tilespmem:s16], [sflag:$0x5], $0x2000, $0x38;
	[tilespmem:$0x8480] =	vst v63  }
0x1e5: {  	_ =	swait.ge [sflag:s17], $0x2000  }
0x1e6: {  	[sflag:s17] =	ssyncset.done $0x0  }
0x1e7: {  	[sflag:s17] =	ssyncadd.s32 $0xFFFFE000  }
0x1e8: {  	_ =	sfence.sel $0x180000  }
0x1e9: {  	[bflag:$0x0] =	sbarrier.arrive $0xFFFF  }
0x1ea: {  	p0 =	sne.s32 s1, $0x0;
	_ =	strace $0x90000047  }
0x1eb: {  	s0 =	sadd.s32 @!p0 $0x100000, s0;
	[bflag:$0x2] =	sbarrier.arrive $0xFFFF  }
0x1ec: {  	[sflag:s0] =	ssyncadd.tile.s32 @!p0 $0x1;
	_ =	shalt  }
.Lfunc_end2:
_tile_overlayer_lowered:
.L_overlay_start_2:
0x1ed: {  	(tag) =	ssettag $0x2  }
0x1ee: {  	s0 =	rddreg [dreg:$0x0];
	s2 =	stileid.u32  }
0x1ef: {  	s1 =	rddreg [dreg:$0x1];
	p0 =	sne.s32 s2, $0x0  }
0x1f0: {  	s3 =	rddreg [dreg:$0x2];
	[bflag:$0x3] =	sbarrier.arrive $0xFFFF;
	s2 =	simm.s32 @!p0 $0x1C05  }
0x1f1: {  	[timem:s3], [sflag:s2] =	dma.local @!p0 [hbm:s0], s1  }
0x1f2: {  	s0 =	simm.s32 @!p0 $0x5  }
0x1f3: {  	_ =	swait.ge @!p0 [sflag:s0], s1  }
0x1f4: {  	s1 =	ssub.s32 @!p0 $0x0, s1;
	[sflag:s0] =	ssyncset.done @!p0 $0x0  }
0x1f5: {  	[sflag:s0] =	ssyncadd.s32 @!p0 s1  }
0x1f6: {  	[bflag:$0x3] =	sbarrier.arrive $0xFFFF  }
0x1f7: {  	_ =	shalt  }

</sc_bundles>
